<compile_context>
chip_gen: v7x
topology: tpu7x:2x2x1
jax: 0.10.2.dev20260603
libtpu: 0.0.44.dev20260713+nightly
codegen_flags: <defaults>
</compile_context>

<pallas_src>
import functools

import jax
import jax.numpy as jnp
from jax import lax
from jax.experimental import pallas as pl
from jax.experimental.pallas import tpu as pltpu
from jax.experimental.pallas import tpu_sc as plsc

_HI = lax.Precision.HIGHEST


def _sc_counts(ei_flat, zrow, n, e):
    info = plsc.get_sparse_core_info()
    nc, ns, L = info.num_cores, info.num_subcores, info.num_lanes
    nw = nc * ns
    rows_w = n // nw
    words_w = rows_w * n
    mesh = plsc.VectorSubcoreMesh(core_axis_name="c", subcore_axis_name="s")

    @functools.partial(
        pl.kernel,
        out_type=jax.ShapeDtypeStruct((n * n,), jnp.float32),
        mesh=mesh,
        compiler_params=pltpu.CompilerParams(needs_layout_passes=False),
        scratch_types=[
            pltpu.VMEM((e,), jnp.int32),
            pltpu.VMEM((e,), jnp.int32),
            pltpu.VMEM((words_w,), jnp.float32),
        ],
    )
    def k(ei_hbm, z_hbm, out_hbm, src_v, dst_v, c_v):
        wid = lax.axis_index("s") * nc + lax.axis_index("c")
        row0 = wid * rows_w
        pltpu.sync_copy(ei_hbm.at[pl.ds(0, e)], src_v)
        pltpu.sync_copy(ei_hbm.at[pl.ds(e, e)], dst_v)
        pltpu.sync_copy(z_hbm, c_v)
        ones = jnp.ones((L,), jnp.float32)
        base = row0 * n
        bound = jnp.uint32(words_w)

        @plsc.parallel_loop(0, e, L, unroll=8)
        def ebody(i):
            s = src_v[pl.ds(i, L)]
            d = dst_v[pl.ds(i, L)]
            lcl = d * n + s - base
            m = lcl.astype(jnp.uint32) < bound
            plsc.addupdate_scatter(c_v, [lcl], ones, mask=m)

        iota = lax.iota(jnp.int32, L)
        for r0 in range(0, rows_w, L):
            rr = iota + r0
            plsc.addupdate_scatter(c_v, [rr * (n + 1) + row0], ones)

        pltpu.sync_copy(c_v, out_hbm.at[pl.ds(row0 * n, words_w)])

    return k(ei_flat, zrow)


def _cdot(c3_ref, t):
    t_hi = t.astype(jnp.bfloat16)
    t_lo = (t - t_hi.astype(jnp.float32)).astype(jnp.bfloat16)
    acc = None
    for s in range(8):
        cs = c3_ref[:, s, :].astype(jnp.bfloat16)
        th = t_hi[s * 128:(s + 1) * 128]
        tl = t_lo[s * 128:(s + 1) * 128]
        p = (jnp.dot(cs, th, preferred_element_type=jnp.float32)
             + jnp.dot(cs, tl, preferred_element_type=jnp.float32))
        acc = p if acc is None else acc + p
    return acc


def _tc_dense_body(x_ref, c3_ref, w1_ref, b1_ref, w2_ref, b2_ref,
                   we1lo_ref, we1hi_ref, be1_ref,
                   node_ref, ap_ref, bpt_ref):
    deg = None
    for s in range(8):
        ds_ = jnp.sum(c3_ref[:, s, :], axis=1, keepdims=True)
        deg = ds_ if deg is None else deg + ds_
    dinv = jnp.where(deg > 0, lax.rsqrt(deg), 0.0)

    xw1 = jnp.dot(x_ref[...], w1_ref[...],
                  preferred_element_type=jnp.float32, precision=_HI)
    h = jnp.maximum(dinv * _cdot(c3_ref, dinv * xw1) + b1_ref[...], 0.0)

    xw2 = jnp.dot(h, w2_ref[...],
                  preferred_element_type=jnp.float32, precision=_HI)
    node_ref[...] = dinv * _cdot(c3_ref, dinv * xw2) + b2_ref[...]

    ap_ref[...] = jnp.dot(h, we1lo_ref[...],
                          preferred_element_type=jnp.float32,
                          precision=_HI) + be1_ref[...]
    bpt_ref[...] = lax.dot_general(
        we1hi_ref[...], h, (((0,), (1,)), ((), ())),
        preferred_element_type=jnp.float32, precision=_HI)


def _tc_dense(x, c3, w1, b1r, w2, b2r, we1lo, we1hi, be1r, n, interpret=False):
    return pl.pallas_call(
        _tc_dense_body,
        out_shape=(
            jax.ShapeDtypeStruct((n, 2), jnp.float32),
            jax.ShapeDtypeStruct((n, 16), jnp.float32),
            jax.ShapeDtypeStruct((16, n), jnp.float32),
        ),
        interpret=interpret,
    )(x, c3, w1, b1r, w2, b2r, we1lo, we1hi, be1r)


def _tc_pairs_body(ap_ref, bpt_ref, we2_ref, be2_ref, eo_ref, *, br, n):
    a = ap_ref[...]
    bt = bpt_ref[...]
    acc = jnp.zeros((br, n), jnp.float32)
    for k in range(16):
        zk = jnp.maximum(a[:, k:k + 1] + bt[k:k + 1, :], 0.0)
        acc = acc + zk * we2_ref[0, k]
    val = 1.0 / (1.0 + jnp.exp(-(acc + be2_ref[0, 0])))
    eo_ref[...] = val.reshape(br, 8, 128)


def _tc_pairs(ap, bpt, we2r, be2r, n, br, interpret=False):
    grid = n // br
    return pl.pallas_call(
        functools.partial(_tc_pairs_body, br=br, n=n),
        grid=(grid,),
        in_specs=[
            pl.BlockSpec((br, 16), lambda i: (i, 0)),
            pl.BlockSpec((16, n), lambda i: (0, 0)),
            pl.BlockSpec(memory_space=pltpu.SMEM),
            pl.BlockSpec(memory_space=pltpu.SMEM),
        ],
        out_specs=pl.BlockSpec((br, 8, 128), lambda i: (i, 0, 0)),
        out_shape=jax.ShapeDtypeStruct((n, 8, 128), jnp.float32),
        interpret=interpret,
    )(ap, bpt, we2r, be2r)


def _tc_fei_body(fei_ref, *, br, n):
    blk = pl.program_id(0)
    jidx = (lax.broadcasted_iota(jnp.int32, (br, 8, 128), 1) * 128
            + lax.broadcasted_iota(jnp.int32, (br, 8, 128), 2))
    fei_ref[0] = (lax.broadcasted_iota(jnp.int32, (br, 8, 128), 0)
                  + blk * br)
    fei_ref[1] = jidx


def _tc_fei(n, br, interpret=False):
    return pl.pallas_call(
        functools.partial(_tc_fei_body, br=br, n=n),
        grid=(n // br,),
        out_specs=pl.BlockSpec((2, br, 8, 128), lambda i: (0, i, 0, 0)),
        out_shape=jax.ShapeDtypeStruct((2, n, 8, 128), jnp.int32),
        interpret=interpret,
    )()


def kernel(x, edge_index, W1, b1, W2, b2, We1, be1, We2, be2):
    n = x.shape[0]
    e = edge_index.shape[1]

    c3 = _sc_counts(edge_index.reshape(-1),
                    jnp.zeros((n * n // 32,), jnp.float32), n, e
                    ).reshape(n, 8, 128)

    node_out, ap, bpt = _tc_dense(
        x, c3, W1, b1.reshape(1, 16), W2, b2.reshape(1, 2),
        We1[:16], We1[16:], be1.reshape(1, 16), n)

    eo3 = _tc_pairs(ap, bpt, We2.reshape(1, 16),
                    be2.reshape(1, 1), n, br=128)
    fei = _tc_fei(n, br=256)

    return node_out, eo3.reshape(n * n), fei.reshape(2, n * n)

# --- scband reference (transcript-rebuilt; emitter-appended) ---
"""Pipeline reference for scband-enhanced-gnn-27273042329839 (READ-ONLY COPY).

The authoritative reference and input builder live on the scoring server;
editing this copy changes nothing except your own understanding.
"""

import jax, jax.numpy as jnp
import numpy as np

N = 1024
E = 32768
D_IN = 128


def gcn_conv(x, edge_index, W, b):
    n = x.shape[0]
    loop = jnp.arange(n, dtype=edge_index.dtype)
    src = jnp.concatenate([edge_index[0], loop])
    dst = jnp.concatenate([edge_index[1], loop])
    deg = jnp.zeros(n, x.dtype).at[dst].add(1.0)
    dinv = jnp.where(deg > 0, deg ** -0.5, 0.0)
    norm = dinv[src] * dinv[dst]
    xw = x @ W
    out = jnp.zeros((n, W.shape[1]), x.dtype).at[dst].add(xw[src] * norm[:, None])
    return out + b


def setup_inputs(seed: int = 0) -> dict:
    key = jax.random.key(seed)
    ks = jax.random.split(key, 12)
    x = jax.random.normal(ks[0], (N, D_IN), dtype=jnp.float32)
    edge_index = jax.random.randint(ks[1], (2, E), 0, N, dtype=jnp.int32)
    W1 = jax.random.normal(ks[2], (D_IN, 16), dtype=jnp.float32) / np.sqrt(D_IN)
    b1 = jnp.zeros((16,), jnp.float32)
    W2 = jax.random.normal(ks[3], (16, 2), dtype=jnp.float32) / np.sqrt(16.0)
    b2 = jnp.zeros((2,), jnp.float32)
    We1 = jax.random.normal(ks[4], (32, 16), dtype=jnp.float32) / np.sqrt(32.0)
    be1 = jnp.zeros((16,), jnp.float32)
    We2 = jax.random.normal(ks[5], (16, 1), dtype=jnp.float32) / np.sqrt(16.0)
    be2 = jnp.zeros((1,), jnp.float32)
    return {"x": x, "edge_index": edge_index, "W1": W1, "b1": b1, "W2": W2, "b2": b2, "We1": We1, "be1": be1, "We2": We2, "be2": be2}


def reference(x, edge_index, W1, b1, W2, b2, We1, be1, We2, be2):
    # conv1 + relu (dropout is identity in eval mode)
    h = jax.nn.relu(gcn_conv(x, edge_index, W1, b1))
    # conv2 -> node logits
    node_out = gcn_conv(h, edge_index, W2, b2)
    # dense all-pairs edge index (row-major, matches dense_to_sparse(ones(N,N)))
    n = h.shape[0]
    start = jnp.repeat(jnp.arange(n, dtype=jnp.int32), n)
    end = jnp.tile(jnp.arange(n, dtype=jnp.int32), n)
    edge_features = jnp.concatenate([h[start], h[end]], axis=1)
    z = jax.nn.relu(edge_features @ We1 + be1)
    edge_out = jax.nn.sigmoid(z @ We2 + be2)
    edge_out = jnp.squeeze(edge_out, axis=-1)
    full_edge_index = jnp.stack([start, end], axis=0)
    return (node_out, edge_out, full_edge_index)

if __name__ == "__main__":
    import jax
    _d = setup_inputs()
    print(jax.jit(kernel)(*tuple(_d.values())))

</pallas_src>

<mosaic_0001>
#map = affine_map<(d0, d1) -> (0)>
module attributes {stable_mosaic.version = 14 : i64} {
  func.func @k(%arg0: i32, %arg1: i32, %arg2: memref<65536xi32, #tpu.memory_space<hbm>>, %arg3: memref<32768xf32, #tpu.memory_space<hbm>>, %arg4: memref<1048576xf32, #tpu.memory_space<hbm>>, %arg5: memref<32768xi32, #tpu.memory_space<vmem>>, %arg6: memref<32768xi32, #tpu.memory_space<vmem>>, %arg7: memref<32768xf32, #tpu.memory_space<vmem>>) attributes {dimension_semantics = [#tpu.dimension_semantics<core_parallel>, #tpu.dimension_semantics<subcore_parallel>], iteration_bounds = array<i64: 2, 16>, scalar_prefetch = 0 : i64, scratch_operands = 3 : i64, tpu.core_type = #tpu.core_type<sc_vector_subcore>, window_params = [{transform_indices = #map}, {transform_indices = #map}, {transform_indices = #map}]} {
    %mul3A = arith.constant 2 : i32
    %mul3A_0 = arith.muli %arg1, %mul3A : i32
    %add3A = arith.addi %mul3A_0, %arg0 : i32
    %mul3A_1 = arith.constant 32 : i32
    %mul3A_2 = arith.muli %add3A, %mul3A_1 : i32
    "tpu.region"() ({
      %run_scoped3A = tpu.sem_alloc : memref<!tpu.dma_semaphore, #tpu.memory_space<semaphore_mem>>
      %dma_start3A = arith.constant 0 : i32
      %dma_start3A_27 = tpu.memref_slice %arg2[%dma_start3A] : memref<65536xi32, #tpu.memory_space<hbm>> -> memref<32768xi32, #tpu.memory_space<hbm>>
      %dma_start3A_28 = arith.constant 0 : i32
      %dma_start3A_29 = tpu.memref_slice %arg2[%dma_start3A_28] : memref<65536xi32, #tpu.memory_space<hbm>> -> memref<32768xi32, #tpu.memory_space<hbm>>
      tpu.enqueue_dma source(%dma_start3A_29 : memref<32768xi32, #tpu.memory_space<hbm>>) target(%arg5 : memref<32768xi32, #tpu.memory_space<vmem>>) target_semaphore(%run_scoped3A : memref<!tpu.dma_semaphore, #tpu.memory_space<semaphore_mem>>)
      %dma_wait3A = arith.constant 0 : i32
      %dma_wait3A_30 = tpu.memref_slice %arg2[%dma_wait3A] : memref<65536xi32, #tpu.memory_space<hbm>> -> memref<32768xi32, #tpu.memory_space<hbm>>
      %dma_wait3A_31 = arith.constant 0 : i32
      %dma_wait3A_32 = tpu.memref_slice %arg2[%dma_wait3A_31] : memref<65536xi32, #tpu.memory_space<hbm>> -> memref<32768xi32, #tpu.memory_space<hbm>>
      tpu.wait_dma2 semaphore(%run_scoped3A : memref<!tpu.dma_semaphore, #tpu.memory_space<semaphore_mem>>) src(%dma_wait3A_32 : memref<32768xi32, #tpu.memory_space<hbm>>) dst(%arg5 : memref<32768xi32, #tpu.memory_space<vmem>>)
      tpu.yield
    }) : () -> ()
    "tpu.region"() ({
      %run_scoped3A = tpu.sem_alloc : memref<!tpu.dma_semaphore, #tpu.memory_space<semaphore_mem>>
      %dma_start3A = arith.constant 32768 : i32
      %dma_start3A_27 = tpu.memref_slice %arg2[%dma_start3A] : memref<65536xi32, #tpu.memory_space<hbm>> -> memref<32768xi32, #tpu.memory_space<hbm>>
      %dma_start3A_28 = arith.constant 32768 : i32
      %dma_start3A_29 = tpu.memref_slice %arg2[%dma_start3A_28] : memref<65536xi32, #tpu.memory_space<hbm>> -> memref<32768xi32, #tpu.memory_space<hbm>>
      tpu.enqueue_dma source(%dma_start3A_29 : memref<32768xi32, #tpu.memory_space<hbm>>) target(%arg6 : memref<32768xi32, #tpu.memory_space<vmem>>) target_semaphore(%run_scoped3A : memref<!tpu.dma_semaphore, #tpu.memory_space<semaphore_mem>>)
      %dma_wait3A = arith.constant 32768 : i32
      %dma_wait3A_30 = tpu.memref_slice %arg2[%dma_wait3A] : memref<65536xi32, #tpu.memory_space<hbm>> -> memref<32768xi32, #tpu.memory_space<hbm>>
      %dma_wait3A_31 = arith.constant 32768 : i32
      %dma_wait3A_32 = tpu.memref_slice %arg2[%dma_wait3A_31] : memref<65536xi32, #tpu.memory_space<hbm>> -> memref<32768xi32, #tpu.memory_space<hbm>>
      tpu.wait_dma2 semaphore(%run_scoped3A : memref<!tpu.dma_semaphore, #tpu.memory_space<semaphore_mem>>) src(%dma_wait3A_32 : memref<32768xi32, #tpu.memory_space<hbm>>) dst(%arg6 : memref<32768xi32, #tpu.memory_space<vmem>>)
      tpu.yield
    }) : () -> ()
    "tpu.region"() ({
      %run_scoped3A = tpu.sem_alloc : memref<!tpu.dma_semaphore, #tpu.memory_space<semaphore_mem>>
      tpu.enqueue_dma source(%arg3 : memref<32768xf32, #tpu.memory_space<hbm>>) target(%arg7 : memref<32768xf32, #tpu.memory_space<vmem>>) target_semaphore(%run_scoped3A : memref<!tpu.dma_semaphore, #tpu.memory_space<semaphore_mem>>)
      tpu.wait_dma2 semaphore(%run_scoped3A : memref<!tpu.dma_semaphore, #tpu.memory_space<semaphore_mem>>) src(%arg3 : memref<32768xf32, #tpu.memory_space<hbm>>) dst(%arg7 : memref<32768xf32, #tpu.memory_space<vmem>>)
      tpu.yield
    }) : () -> ()
    %broadcast_in_dim3A = arith.constant 1.000000e+00 : f32
    %broadcast_in_dim3A_3 = vector.broadcast %broadcast_in_dim3A : f32 to vector<16xf32>
    %mul3A_4 = arith.constant 1024 : i32
    %mul3A_5 = arith.muli %mul3A_2, %mul3A_4 : i32
    %parallel_loop3A = arith.constant 0 : i32
    %parallel_loop3A_6 = arith.constant 32768 : i32
    %parallel_loop3A_7 = arith.constant 16 : i32
    %parallel_loop3A_8 = arith.constant 32768 : i32
    scf.for %parallel_loop3A_27 = %parallel_loop3A to %parallel_loop3A_6 step %parallel_loop3A_7  : i32 {
      %parallel_loop3A_28 = arith.index_cast %parallel_loop3A_27 : i32 to index
      %parallel_loop3A_29 = tpu.vector_load %arg5[%parallel_loop3A_28] {strides = array<i32>} : memref<32768xi32, #tpu.memory_space<vmem>>, vector<16xi32>,
      %parallel_loop3A_30 = arith.index_cast %parallel_loop3A_27 : i32 to index
      %parallel_loop3A_31 = tpu.vector_load %arg6[%parallel_loop3A_30] {strides = array<i32>} : memref<32768xi32, #tpu.memory_space<vmem>>, vector<16xi32>,
      %parallel_loop3A_32 = arith.constant 1024 : i32
      %parallel_loop3A_33 = vector.broadcast %parallel_loop3A_32 : i32 to vector<16xi32>
      %parallel_loop3A_34 = arith.muli %parallel_loop3A_31, %parallel_loop3A_33 : vector<16xi32>
      %parallel_loop3A_35 = arith.addi %parallel_loop3A_34, %parallel_loop3A_29 : vector<16xi32>
      %parallel_loop3A_36 = vector.broadcast %mul3A_5 : i32 to vector<16xi32>
      %parallel_loop3A_37 = arith.subi %parallel_loop3A_35, %parallel_loop3A_36 : vector<16xi32>
      %parallel_loop3A_38 = vector.broadcast %parallel_loop3A_8 : i32 to vector<16xi32>
      %parallel_loop3A_39 = arith.cmpi ult, %parallel_loop3A_37, %parallel_loop3A_38 : vector<16xi32>
      tpu.vector_store_idx %arg7[%parallel_loop3A_37], %broadcast_in_dim3A_3 masked %parallel_loop3A_39 {add = true} : memref<32768xf32, #tpu.memory_space<vmem>>[vector<16xi32>], vector<16xf32>, vector<16xi1>
    } {sc.loop_unroll_factor = 8 : i64, sc.parallel_access}
    %iota3A = tpu.iota {dimensions = array<i32: 0>} : vector<16xi32>
    %add3A_9 = arith.constant 0 : i32
    %add3A_10 = vector.broadcast %add3A_9 : i32 to vector<16xi32>
    %add3A_11 = arith.addi %iota3A, %add3A_10 : vector<16xi32>
    %mul3A_12 = arith.constant 1025 : i32
    %mul3A_13 = vector.broadcast %mul3A_12 : i32 to vector<16xi32>
    %mul3A_14 = arith.muli %add3A_11, %mul3A_13 : vector<16xi32>
    %add3A_15 = vector.broadcast %mul3A_2 : i32 to vector<16xi32>
    %add3A_16 = arith.addi %mul3A_14, %add3A_15 : vector<16xi32>
    tpu.vector_store_idx %arg7[%add3A_16], %broadcast_in_dim3A_3 {add = true} : memref<32768xf32, #tpu.memory_space<vmem>>[vector<16xi32>], vector<16xf32>,
    %add3A_17 = arith.constant 16 : i32
    %add3A_18 = vector.broadcast %add3A_17 : i32 to vector<16xi32>
    %add3A_19 = arith.addi %iota3A, %add3A_18 : vector<16xi32>
    %mul3A_20 = arith.constant 1025 : i32
    %mul3A_21 = vector.broadcast %mul3A_20 : i32 to vector<16xi32>
    %mul3A_22 = arith.muli %add3A_19, %mul3A_21 : vector<16xi32>
    %add3A_23 = vector.broadcast %mul3A_2 : i32 to vector<16xi32>
    %add3A_24 = arith.addi %mul3A_22, %add3A_23 : vector<16xi32>
    tpu.vector_store_idx %arg7[%add3A_24], %broadcast_in_dim3A_3 {add = true} : memref<32768xf32, #tpu.memory_space<vmem>>[vector<16xi32>], vector<16xf32>,
    %mul3A_25 = arith.constant 1024 : i32
    %mul3A_26 = arith.muli %mul3A_2, %mul3A_25 : i32
    "tpu.region"() ({
      %run_scoped3A = tpu.sem_alloc : memref<!tpu.dma_semaphore, #tpu.memory_space<semaphore_mem>>
      %dma_start3A = tpu.memref_slice %arg4[%mul3A_26] : memref<1048576xf32, #tpu.memory_space<hbm>> -> memref<32768xf32, #tpu.memory_space<hbm>>
      %dma_start3A_27 = tpu.memref_slice %arg4[%mul3A_26] : memref<1048576xf32, #tpu.memory_space<hbm>> -> memref<32768xf32, #tpu.memory_space<hbm>>
      tpu.enqueue_dma source(%arg7 : memref<32768xf32, #tpu.memory_space<vmem>>) target(%dma_start3A_27 : memref<32768xf32, #tpu.memory_space<hbm>>) target_semaphore(%run_scoped3A : memref<!tpu.dma_semaphore, #tpu.memory_space<semaphore_mem>>)
      %dma_wait3A = tpu.memref_slice %arg4[%mul3A_26] : memref<1048576xf32, #tpu.memory_space<hbm>> -> memref<32768xf32, #tpu.memory_space<hbm>>
      %dma_wait3A_28 = tpu.memref_slice %arg4[%mul3A_26] : memref<1048576xf32, #tpu.memory_space<hbm>> -> memref<32768xf32, #tpu.memory_space<hbm>>
      tpu.wait_dma2 semaphore(%run_scoped3A : memref<!tpu.dma_semaphore, #tpu.memory_space<semaphore_mem>>) src(%arg7 : memref<32768xf32, #tpu.memory_space<vmem>>) dst(%dma_wait3A_28 : memref<32768xf32, #tpu.memory_space<hbm>>)
      tpu.yield
    }) : () -> ()
    return
  }
}

module attributes {stable_mosaic.version = 14 : i64} {
  func.func @_tc_fei_body(%arg0: i32, %arg1: memref<2x256x8x128xi32, #tpu.memory_space<vmem>>) attributes {dimension_semantics = [#tpu.dimension_semantics<arbitrary>], iteration_bounds = array<i64: 4>, scalar_prefetch = 0 : i64, scratch_operands = 0 : i64, tpu.core_type = #tpu.core_type<tc>, window_params = [{transform_indices = @transform_0, window_bounds = array<i64: 2, 256, 8, 128>}]} {
    %iota3A = tpu.iota {dimensions = array<i32: 1>} : vector<256x8x128xi32>
    %mul3A = arith.constant 128 : i32
    %mul3A_0 = vector.broadcast %mul3A : i32 to vector<256x8x128xi32>
    %mul3A_1 = arith.muli %iota3A, %mul3A_0 : vector<256x8x128xi32>
    %iota3A_2 = tpu.iota {dimensions = array<i32: 2>} : vector<256x8x128xi32>
    %add3A = arith.addi %mul3A_1, %iota3A_2 : vector<256x8x128xi32>
    %iota3A_3 = tpu.iota {dimensions = array<i32: 0>} : vector<256x8x128xi32>
    %mul3A_4 = arith.constant 256 : i32
    %mul3A_5 = arith.muli %arg0, %mul3A_4 : i32
    %add3A_6 = vector.broadcast %mul3A_5 : i32 to vector<256x8x128xi32>
    %add3A_7 = arith.addi %iota3A_3, %add3A_6 : vector<256x8x128xi32>
    %swap3A = arith.constant 0 : index
    %swap3A_8 = arith.constant 0 : index
    %swap3A_9 = arith.constant 0 : index
    %swap3A_10 = arith.constant 0 : index
    %swap3A_11 = vector.load %arg1[%swap3A, %swap3A_8, %swap3A_9, %swap3A_10] : memref<2x256x8x128xi32, #tpu.memory_space<vmem>>, vector<1x256x8x128xi32>
    %swap3A_12 = vector.shape_cast %swap3A_11 : vector<1x256x8x128xi32> to vector<256x8x128xi32>
    %swap3A_13 = vector.shape_cast %add3A_7 : vector<256x8x128xi32> to vector<1x256x8x128xi32>
    tpu.vector_store %arg1[%swap3A, %swap3A_8, %swap3A_9, %swap3A_10], %swap3A_13 {strides = array<i32>} : memref<2x256x8x128xi32, #tpu.memory_space<vmem>>, vector<1x256x8x128xi32>,
    %swap3A_14 = arith.constant 1 : index
    %swap3A_15 = arith.constant 0 : index
    %swap3A_16 = arith.constant 0 : index
    %swap3A_17 = arith.constant 0 : index
    %swap3A_18 = vector.load %arg1[%swap3A_14, %swap3A_15, %swap3A_16, %swap3A_17] : memref<2x256x8x128xi32, #tpu.memory_space<vmem>>, vector<1x256x8x128xi32>
    %swap3A_19 = vector.shape_cast %swap3A_18 : vector<1x256x8x128xi32> to vector<256x8x128xi32>
    %swap3A_20 = vector.shape_cast %add3A : vector<256x8x128xi32> to vector<1x256x8x128xi32>
    tpu.vector_store %arg1[%swap3A_14, %swap3A_15, %swap3A_16, %swap3A_17], %swap3A_20 {strides = array<i32>} : memref<2x256x8x128xi32, #tpu.memory_space<vmem>>, vector<1x256x8x128xi32>,
    return
  }
  func.func @transform_0(%arg0: i32) -> (i32, i32, i32, i32) {
    %c0_i32 = arith.constant 0 : i32
    %c0_i32_0 = arith.constant 0 : i32
    %c0_i32_1 = arith.constant 0 : i32
    %c0_i32_2 = arith.constant 0 : i32
    return %c0_i32, %arg0, %c0_i32_0, %c0_i32_1 : i32, i32, i32, i32
  }
}

module attributes {stable_mosaic.version = 14 : i64} {
  func.func @_tc_dense_body(%arg0: memref<1024x128xf32, #tpu.memory_space<vmem>>, %arg1: memref<1024x8x128xf32, #tpu.memory_space<vmem>>, %arg2: memref<128x16xf32, #tpu.memory_space<vmem>>, %arg3: memref<1x16xf32, #tpu.memory_space<vmem>>, %arg4: memref<16x2xf32, #tpu.memory_space<vmem>>, %arg5: memref<1x2xf32, #tpu.memory_space<vmem>>, %arg6: memref<16x16xf32, #tpu.memory_space<vmem>>, %arg7: memref<16x16xf32, #tpu.memory_space<vmem>>, %arg8: memref<1x16xf32, #tpu.memory_space<vmem>>, %arg9: memref<1024x2xf32, #tpu.memory_space<vmem>>, %arg10: memref<1024x16xf32, #tpu.memory_space<vmem>>, %arg11: memref<16x1024xf32, #tpu.memory_space<vmem>>) attributes {dimension_semantics = [], scalar_prefetch = 0 : i64, scratch_operands = 0 : i64, tpu.core_type = #tpu.core_type<tc>} {
    %get3A = arith.constant 0 : index
    %get3A_0 = arith.constant 0 : index
    %get3A_1 = arith.constant 0 : index
    %get3A_2 = vector.load %arg1[%get3A, %get3A_0, %get3A_1] : memref<1024x8x128xf32, #tpu.memory_space<vmem>>, vector<1024x1x128xf32>
    %get3A_3 = vector.shape_cast %get3A_2 : vector<1024x1x128xf32> to vector<1024x128xf32>
    %reduce_sum3A = arith.constant dense<0.000000e+00> : vector<1024xf32>
    %reduce_sum3A_4 = vector.multi_reduction <add>, %get3A_3, %reduce_sum3A [1] : vector<1024x128xf32> to vector<1024xf32>
    %broadcast_in_dim3A = vector.shape_cast %reduce_sum3A_4 : vector<1024xf32> to vector<1024x1xf32>
    %get3A_5 = arith.constant 0 : index
    %get3A_6 = arith.constant 1 : index
    %get3A_7 = arith.constant 0 : index
    %get3A_8 = vector.load %arg1[%get3A_5, %get3A_6, %get3A_7] : memref<1024x8x128xf32, #tpu.memory_space<vmem>>, vector<1024x1x128xf32>
    %get3A_9 = vector.shape_cast %get3A_8 : vector<1024x1x128xf32> to vector<1024x128xf32>
    %reduce_sum3A_10 = arith.constant dense<0.000000e+00> : vector<1024xf32>
    %reduce_sum3A_11 = vector.multi_reduction <add>, %get3A_9, %reduce_sum3A_10 [1] : vector<1024x128xf32> to vector<1024xf32>
    %broadcast_in_dim3A_12 = vector.shape_cast %reduce_sum3A_11 : vector<1024xf32> to vector<1024x1xf32>
    %add3A = arith.addf %broadcast_in_dim3A, %broadcast_in_dim3A_12 : vector<1024x1xf32>
    %get3A_13 = arith.constant 0 : index
    %get3A_14 = arith.constant 2 : index
    %get3A_15 = arith.constant 0 : index
    %get3A_16 = vector.load %arg1[%get3A_13, %get3A_14, %get3A_15] : memref<1024x8x128xf32, #tpu.memory_space<vmem>>, vector<1024x1x128xf32>
    %get3A_17 = vector.shape_cast %get3A_16 : vector<1024x1x128xf32> to vector<1024x128xf32>
    %reduce_sum3A_18 = arith.constant dense<0.000000e+00> : vector<1024xf32>
    %reduce_sum3A_19 = vector.multi_reduction <add>, %get3A_17, %reduce_sum3A_18 [1] : vector<1024x128xf32> to vector<1024xf32>
    %broadcast_in_dim3A_20 = vector.shape_cast %reduce_sum3A_19 : vector<1024xf32> to vector<1024x1xf32>
    %add3A_21 = arith.addf %add3A, %broadcast_in_dim3A_20 : vector<1024x1xf32>
    %get3A_22 = arith.constant 0 : index
    %get3A_23 = arith.constant 3 : index
    %get3A_24 = arith.constant 0 : index
    %get3A_25 = vector.load %arg1[%get3A_22, %get3A_23, %get3A_24] : memref<1024x8x128xf32, #tpu.memory_space<vmem>>, vector<1024x1x128xf32>
    %get3A_26 = vector.shape_cast %get3A_25 : vector<1024x1x128xf32> to vector<1024x128xf32>
    %reduce_sum3A_27 = arith.constant dense<0.000000e+00> : vector<1024xf32>
    %reduce_sum3A_28 = vector.multi_reduction <add>, %get3A_26, %reduce_sum3A_27 [1] : vector<1024x128xf32> to vector<1024xf32>
    %broadcast_in_dim3A_29 = vector.shape_cast %reduce_sum3A_28 : vector<1024xf32> to vector<1024x1xf32>
    %add3A_30 = arith.addf %add3A_21, %broadcast_in_dim3A_29 : vector<1024x1xf32>
    %get3A_31 = arith.constant 0 : index
    %get3A_32 = arith.constant 4 : index
    %get3A_33 = arith.constant 0 : index
    %get3A_34 = vector.load %arg1[%get3A_31, %get3A_32, %get3A_33] : memref<1024x8x128xf32, #tpu.memory_space<vmem>>, vector<1024x1x128xf32>
    %get3A_35 = vector.shape_cast %get3A_34 : vector<1024x1x128xf32> to vector<1024x128xf32>
    %reduce_sum3A_36 = arith.constant dense<0.000000e+00> : vector<1024xf32>
    %reduce_sum3A_37 = vector.multi_reduction <add>, %get3A_35, %reduce_sum3A_36 [1] : vector<1024x128xf32> to vector<1024xf32>
    %broadcast_in_dim3A_38 = vector.shape_cast %reduce_sum3A_37 : vector<1024xf32> to vector<1024x1xf32>
    %add3A_39 = arith.addf %add3A_30, %broadcast_in_dim3A_38 : vector<1024x1xf32>
    %get3A_40 = arith.constant 0 : index
    %get3A_41 = arith.constant 5 : index
    %get3A_42 = arith.constant 0 : index
    %get3A_43 = vector.load %arg1[%get3A_40, %get3A_41, %get3A_42] : memref<1024x8x128xf32, #tpu.memory_space<vmem>>, vector<1024x1x128xf32>
    %get3A_44 = vector.shape_cast %get3A_43 : vector<1024x1x128xf32> to vector<1024x128xf32>
    %reduce_sum3A_45 = arith.constant dense<0.000000e+00> : vector<1024xf32>
    %reduce_sum3A_46 = vector.multi_reduction <add>, %get3A_44, %reduce_sum3A_45 [1] : vector<1024x128xf32> to vector<1024xf32>
    %broadcast_in_dim3A_47 = vector.shape_cast %reduce_sum3A_46 : vector<1024xf32> to vector<1024x1xf32>
    %add3A_48 = arith.addf %add3A_39, %broadcast_in_dim3A_47 : vector<1024x1xf32>
    %get3A_49 = arith.constant 0 : index
    %get3A_50 = arith.constant 6 : index
    %get3A_51 = arith.constant 0 : index
    %get3A_52 = vector.load %arg1[%get3A_49, %get3A_50, %get3A_51] : memref<1024x8x128xf32, #tpu.memory_space<vmem>>, vector<1024x1x128xf32>
    %get3A_53 = vector.shape_cast %get3A_52 : vector<1024x1x128xf32> to vector<1024x128xf32>
    %reduce_sum3A_54 = arith.constant dense<0.000000e+00> : vector<1024xf32>
    %reduce_sum3A_55 = vector.multi_reduction <add>, %get3A_53, %reduce_sum3A_54 [1] : vector<1024x128xf32> to vector<1024xf32>
    %broadcast_in_dim3A_56 = vector.shape_cast %reduce_sum3A_55 : vector<1024xf32> to vector<1024x1xf32>
    %add3A_57 = arith.addf %add3A_48, %broadcast_in_dim3A_56 : vector<1024x1xf32>
    %get3A_58 = arith.constant 0 : index
    %get3A_59 = arith.constant 7 : index
    %get3A_60 = arith.constant 0 : index
    %get3A_61 = vector.load %arg1[%get3A_58, %get3A_59, %get3A_60] : memref<1024x8x128xf32, #tpu.memory_space<vmem>>, vector<1024x1x128xf32>
    %get3A_62 = vector.shape_cast %get3A_61 : vector<1024x1x128xf32> to vector<1024x128xf32>
    %reduce_sum3A_63 = arith.constant dense<0.000000e+00> : vector<1024xf32>
    %reduce_sum3A_64 = vector.multi_reduction <add>, %get3A_62, %reduce_sum3A_63 [1] : vector<1024x128xf32> to vector<1024xf32>
    %broadcast_in_dim3A_65 = vector.shape_cast %reduce_sum3A_64 : vector<1024xf32> to vector<1024x1xf32>
    %add3A_66 = arith.addf %add3A_57, %broadcast_in_dim3A_65 : vector<1024x1xf32>
    %gt3A = arith.constant 0.000000e+00 : f32
    %gt3A_67 = vector.broadcast %gt3A : f32 to vector<1024x1xf32>
    %gt3A_68 = arith.cmpf ogt, %add3A_66, %gt3A_67 : vector<1024x1xf32>
    %rsqrt3A = math.rsqrt %add3A_66 : vector<1024x1xf32>
    %jit3A = arith.constant 0.000000e+00 : f32
    %broadcast_in_dim3A_69 = vector.broadcast %jit3A : f32 to vector<1024x1xf32>
    %select_n3A = arith.select %gt3A_68, %rsqrt3A, %broadcast_in_dim3A_69 : vector<1024x1xi1>, vector<1024x1xf32>
    %get3A_70 = arith.constant 0 : index
    %get3A_71 = arith.constant 0 : index
    %get3A_72 = vector.load %arg0[%get3A_70, %get3A_71] : memref<1024x128xf32, #tpu.memory_space<vmem>>, vector<1024x128xf32>
    %get3A_73 = arith.constant 0 : index
    %get3A_74 = arith.constant 0 : index
    %get3A_75 = vector.load %arg2[%get3A_73, %get3A_74] : memref<128x16xf32, #tpu.memory_space<vmem>>, vector<128x16xf32>
    %dot_general3A = arith.constant dense<0.000000e+00> : vector<1024x16xf32>
    %dot_general3A_76 = tpu.matmul %get3A_72, %get3A_75, %dot_general3A {dimension_numbers = #tpu.dot_dimension_numbers<[1], [0], [0], [1], [0, 0, 1, 1], [], []>, precision = #tpu.contract_precision<fp32>, transpose_lhs_hint = false} : vector<1024x128xf32>, vector<128x16xf32>, vector<1024x16xf32> -> vector<1024x16xf32>
    %mul3A = vector.broadcast %select_n3A : vector<1024x1xf32> to vector<1024x16xf32>
    %mul3A_77 = arith.mulf %mul3A, %dot_general3A_76 : vector<1024x16xf32>
    %convert_element_type3A = arith.truncf %mul3A_77 : vector<1024x16xf32> to vector<1024x16xbf16>
    %convert_element_type3A_78 = arith.extf %convert_element_type3A : vector<1024x16xbf16> to vector<1024x16xf32>
    %sub3A = arith.subf %mul3A_77, %convert_element_type3A_78 : vector<1024x16xf32>
    %convert_element_type3A_79 = arith.truncf %sub3A : vector<1024x16xf32> to vector<1024x16xbf16>
    %get3A_80 = arith.constant 0 : index
    %get3A_81 = arith.constant 0 : index
    %get3A_82 = arith.constant 0 : index
    %get3A_83 = vector.load %arg1[%get3A_80, %get3A_81, %get3A_82] : memref<1024x8x128xf32, #tpu.memory_space<vmem>>, vector<1024x1x128xf32>
    %get3A_84 = vector.shape_cast %get3A_83 : vector<1024x1x128xf32> to vector<1024x128xf32>
    %convert_element_type3A_85 = arith.truncf %get3A_84 : vector<1024x128xf32> to vector<1024x128xbf16>
    %slice3A = vector.extract_strided_slice %convert_element_type3A {offsets = [0, 0], sizes = [128, 16], strides = [1, 1]} : vector<1024x16xbf16> to vector<128x16xbf16>
    %slice3A_86 = vector.extract_strided_slice %convert_element_type3A_79 {offsets = [0, 0], sizes = [128, 16], strides = [1, 1]} : vector<1024x16xbf16> to vector<128x16xbf16>
    %dot_general3A_87 = arith.constant dense<0.000000e+00> : vector<1024x16xf32>
    %dot_general3A_88 = tpu.matmul %convert_element_type3A_85, %slice3A, %dot_general3A_87 {dimension_numbers = #tpu.dot_dimension_numbers<[1], [0], [0], [1], [0, 0, 1, 1], [], []>, transpose_lhs_hint = false} : vector<1024x128xbf16>, vector<128x16xbf16>, vector<1024x16xf32> -> vector<1024x16xf32>
    %dot_general3A_89 = arith.constant dense<0.000000e+00> : vector<1024x16xf32>
    %dot_general3A_90 = tpu.matmul %convert_element_type3A_85, %slice3A_86, %dot_general3A_89 {dimension_numbers = #tpu.dot_dimension_numbers<[1], [0], [0], [1], [0, 0, 1, 1], [], []>, transpose_lhs_hint = false} : vector<1024x128xbf16>, vector<128x16xbf16>, vector<1024x16xf32> -> vector<1024x16xf32>
    %add3A_91 = arith.addf %dot_general3A_88, %dot_general3A_90 : vector<1024x16xf32>
    %get3A_92 = arith.constant 0 : index
    %get3A_93 = arith.constant 1 : index
    %get3A_94 = arith.constant 0 : index
    %get3A_95 = vector.load %arg1[%get3A_92, %get3A_93, %get3A_94] : memref<1024x8x128xf32, #tpu.memory_space<vmem>>, vector<1024x1x128xf32>
    %get3A_96 = vector.shape_cast %get3A_95 : vector<1024x1x128xf32> to vector<1024x128xf32>
    %convert_element_type3A_97 = arith.truncf %get3A_96 : vector<1024x128xf32> to vector<1024x128xbf16>
    %slice3A_98 = vector.extract_strided_slice %convert_element_type3A {offsets = [128, 0], sizes = [128, 16], strides = [1, 1]} : vector<1024x16xbf16> to vector<128x16xbf16>
    %slice3A_99 = vector.extract_strided_slice %convert_element_type3A_79 {offsets = [128, 0], sizes = [128, 16], strides = [1, 1]} : vector<1024x16xbf16> to vector<128x16xbf16>
    %dot_general3A_100 = arith.constant dense<0.000000e+00> : vector<1024x16xf32>
    %dot_general3A_101 = tpu.matmul %convert_element_type3A_97, %slice3A_98, %dot_general3A_100 {dimension_numbers = #tpu.dot_dimension_numbers<[1], [0], [0], [1], [0, 0, 1, 1], [], []>, transpose_lhs_hint = false} : vector<1024x128xbf16>, vector<128x16xbf16>, vector<1024x16xf32> -> vector<1024x16xf32>
    %dot_general3A_102 = arith.constant dense<0.000000e+00> : vector<1024x16xf32>
    %dot_general3A_103 = tpu.matmul %convert_element_type3A_97, %slice3A_99, %dot_general3A_102 {dimension_numbers = #tpu.dot_dimension_numbers<[1], [0], [0], [1], [0, 0, 1, 1], [], []>, transpose_lhs_hint = false} : vector<1024x128xbf16>, vector<128x16xbf16>, vector<1024x16xf32> -> vector<1024x16xf32>
    %add3A_104 = arith.addf %dot_general3A_101, %dot_general3A_103 : vector<1024x16xf32>
    %add3A_105 = arith.addf %add3A_91, %add3A_104 : vector<1024x16xf32>
    %get3A_106 = arith.constant 0 : index
    %get3A_107 = arith.constant 2 : index
    %get3A_108 = arith.constant 0 : index
    %get3A_109 = vector.load %arg1[%get3A_106, %get3A_107, %get3A_108] : memref<1024x8x128xf32, #tpu.memory_space<vmem>>, vector<1024x1x128xf32>
    %get3A_110 = vector.shape_cast %get3A_109 : vector<1024x1x128xf32> to vector<1024x128xf32>
    %convert_element_type3A_111 = arith.truncf %get3A_110 : vector<1024x128xf32> to vector<1024x128xbf16>
    %slice3A_112 = vector.extract_strided_slice %convert_element_type3A {offsets = [256, 0], sizes = [128, 16], strides = [1, 1]} : vector<1024x16xbf16> to vector<128x16xbf16>
    %slice3A_113 = vector.extract_strided_slice %convert_element_type3A_79 {offsets = [256, 0], sizes = [128, 16], strides = [1, 1]} : vector<1024x16xbf16> to vector<128x16xbf16>
    %dot_general3A_114 = arith.constant dense<0.000000e+00> : vector<1024x16xf32>
    %dot_general3A_115 = tpu.matmul %convert_element_type3A_111, %slice3A_112, %dot_general3A_114 {dimension_numbers = #tpu.dot_dimension_numbers<[1], [0], [0], [1], [0, 0, 1, 1], [], []>, transpose_lhs_hint = false} : vector<1024x128xbf16>, vector<128x16xbf16>, vector<1024x16xf32> -> vector<1024x16xf32>
    %dot_general3A_116 = arith.constant dense<0.000000e+00> : vector<1024x16xf32>
    %dot_general3A_117 = tpu.matmul %convert_element_type3A_111, %slice3A_113, %dot_general3A_116 {dimension_numbers = #tpu.dot_dimension_numbers<[1], [0], [0], [1], [0, 0, 1, 1], [], []>, transpose_lhs_hint = false} : vector<1024x128xbf16>, vector<128x16xbf16>, vector<1024x16xf32> -> vector<1024x16xf32>
    %add3A_118 = arith.addf %dot_general3A_115, %dot_general3A_117 : vector<1024x16xf32>
    %add3A_119 = arith.addf %add3A_105, %add3A_118 : vector<1024x16xf32>
    %get3A_120 = arith.constant 0 : index
    %get3A_121 = arith.constant 3 : index
    %get3A_122 = arith.constant 0 : index
    %get3A_123 = vector.load %arg1[%get3A_120, %get3A_121, %get3A_122] : memref<1024x8x128xf32, #tpu.memory_space<vmem>>, vector<1024x1x128xf32>
    %get3A_124 = vector.shape_cast %get3A_123 : vector<1024x1x128xf32> to vector<1024x128xf32>
    %convert_element_type3A_125 = arith.truncf %get3A_124 : vector<1024x128xf32> to vector<1024x128xbf16>
    %slice3A_126 = vector.extract_strided_slice %convert_element_type3A {offsets = [384, 0], sizes = [128, 16], strides = [1, 1]} : vector<1024x16xbf16> to vector<128x16xbf16>
    %slice3A_127 = vector.extract_strided_slice %convert_element_type3A_79 {offsets = [384, 0], sizes = [128, 16], strides = [1, 1]} : vector<1024x16xbf16> to vector<128x16xbf16>
    %dot_general3A_128 = arith.constant dense<0.000000e+00> : vector<1024x16xf32>
    %dot_general3A_129 = tpu.matmul %convert_element_type3A_125, %slice3A_126, %dot_general3A_128 {dimension_numbers = #tpu.dot_dimension_numbers<[1], [0], [0], [1], [0, 0, 1, 1], [], []>, transpose_lhs_hint = false} : vector<1024x128xbf16>, vector<128x16xbf16>, vector<1024x16xf32> -> vector<1024x16xf32>
    %dot_general3A_130 = arith.constant dense<0.000000e+00> : vector<1024x16xf32>
    %dot_general3A_131 = tpu.matmul %convert_element_type3A_125, %slice3A_127, %dot_general3A_130 {dimension_numbers = #tpu.dot_dimension_numbers<[1], [0], [0], [1], [0, 0, 1, 1], [], []>, transpose_lhs_hint = false} : vector<1024x128xbf16>, vector<128x16xbf16>, vector<1024x16xf32> -> vector<1024x16xf32>
    %add3A_132 = arith.addf %dot_general3A_129, %dot_general3A_131 : vector<1024x16xf32>
    %add3A_133 = arith.addf %add3A_119, %add3A_132 : vector<1024x16xf32>
    %get3A_134 = arith.constant 0 : index
    %get3A_135 = arith.constant 4 : index
    %get3A_136 = arith.constant 0 : index
    %get3A_137 = vector.load %arg1[%get3A_134, %get3A_135, %get3A_136] : memref<1024x8x128xf32, #tpu.memory_space<vmem>>, vector<1024x1x128xf32>
    %get3A_138 = vector.shape_cast %get3A_137 : vector<1024x1x128xf32> to vector<1024x128xf32>
    %convert_element_type3A_139 = arith.truncf %get3A_138 : vector<1024x128xf32> to vector<1024x128xbf16>
    %slice3A_140 = vector.extract_strided_slice %convert_element_type3A {offsets = [512, 0], sizes = [128, 16], strides = [1, 1]} : vector<1024x16xbf16> to vector<128x16xbf16>
    %slice3A_141 = vector.extract_strided_slice %convert_element_type3A_79 {offsets = [512, 0], sizes = [128, 16], strides = [1, 1]} : vector<1024x16xbf16> to vector<128x16xbf16>
    %dot_general3A_142 = arith.constant dense<0.000000e+00> : vector<1024x16xf32>
    %dot_general3A_143 = tpu.matmul %convert_element_type3A_139, %slice3A_140, %dot_general3A_142 {dimension_numbers = #tpu.dot_dimension_numbers<[1], [0], [0], [1], [0, 0, 1, 1], [], []>, transpose_lhs_hint = false} : vector<1024x128xbf16>, vector<128x16xbf16>, vector<1024x16xf32> -> vector<1024x16xf32>
    %dot_general3A_144 = arith.constant dense<0.000000e+00> : vector<1024x16xf32>
    %dot_general3A_145 = tpu.matmul %convert_element_type3A_139, %slice3A_141, %dot_general3A_144 {dimension_numbers = #tpu.dot_dimension_numbers<[1], [0], [0], [1], [0, 0, 1, 1], [], []>, transpose_lhs_hint = false} : vector<1024x128xbf16>, vector<128x16xbf16>, vector<1024x16xf32> -> vector<1024x16xf32>
    %add3A_146 = arith.addf %dot_general3A_143, %dot_general3A_145 : vector<1024x16xf32>
    %add3A_147 = arith.addf %add3A_133, %add3A_146 : vector<1024x16xf32>
    %get3A_148 = arith.constant 0 : index
    %get3A_149 = arith.constant 5 : index
    %get3A_150 = arith.constant 0 : index
    %get3A_151 = vector.load %arg1[%get3A_148, %get3A_149, %get3A_150] : memref<1024x8x128xf32, #tpu.memory_space<vmem>>, vector<1024x1x128xf32>
    %get3A_152 = vector.shape_cast %get3A_151 : vector<1024x1x128xf32> to vector<1024x128xf32>
    %convert_element_type3A_153 = arith.truncf %get3A_152 : vector<1024x128xf32> to vector<1024x128xbf16>
    %slice3A_154 = vector.extract_strided_slice %convert_element_type3A {offsets = [640, 0], sizes = [128, 16], strides = [1, 1]} : vector<1024x16xbf16> to vector<128x16xbf16>
    %slice3A_155 = vector.extract_strided_slice %convert_element_type3A_79 {offsets = [640, 0], sizes = [128, 16], strides = [1, 1]} : vector<1024x16xbf16> to vector<128x16xbf16>
    %dot_general3A_156 = arith.constant dense<0.000000e+00> : vector<1024x16xf32>
    %dot_general3A_157 = tpu.matmul %convert_element_type3A_153, %slice3A_154, %dot_general3A_156 {dimension_numbers = #tpu.dot_dimension_numbers<[1], [0], [0], [1], [0, 0, 1, 1], [], []>, transpose_lhs_hint = false} : vector<1024x128xbf16>, vector<128x16xbf16>, vector<1024x16xf32> -> vector<1024x16xf32>
    %dot_general3A_158 = arith.constant dense<0.000000e+00> : vector<1024x16xf32>
    %dot_general3A_159 = tpu.matmul %convert_element_type3A_153, %slice3A_155, %dot_general3A_158 {dimension_numbers = #tpu.dot_dimension_numbers<[1], [0], [0], [1], [0, 0, 1, 1], [], []>, transpose_lhs_hint = false} : vector<1024x128xbf16>, vector<128x16xbf16>, vector<1024x16xf32> -> vector<1024x16xf32>
    %add3A_160 = arith.addf %dot_general3A_157, %dot_general3A_159 : vector<1024x16xf32>
    %add3A_161 = arith.addf %add3A_147, %add3A_160 : vector<1024x16xf32>
    %get3A_162 = arith.constant 0 : index
    %get3A_163 = arith.constant 6 : index
    %get3A_164 = arith.constant 0 : index
    %get3A_165 = vector.load %arg1[%get3A_162, %get3A_163, %get3A_164] : memref<1024x8x128xf32, #tpu.memory_space<vmem>>, vector<1024x1x128xf32>
    %get3A_166 = vector.shape_cast %get3A_165 : vector<1024x1x128xf32> to vector<1024x128xf32>
    %convert_element_type3A_167 = arith.truncf %get3A_166 : vector<1024x128xf32> to vector<1024x128xbf16>
    %slice3A_168 = vector.extract_strided_slice %convert_element_type3A {offsets = [768, 0], sizes = [128, 16], strides = [1, 1]} : vector<1024x16xbf16> to vector<128x16xbf16>
    %slice3A_169 = vector.extract_strided_slice %convert_element_type3A_79 {offsets = [768, 0], sizes = [128, 16], strides = [1, 1]} : vector<1024x16xbf16> to vector<128x16xbf16>
    %dot_general3A_170 = arith.constant dense<0.000000e+00> : vector<1024x16xf32>
    %dot_general3A_171 = tpu.matmul %convert_element_type3A_167, %slice3A_168, %dot_general3A_170 {dimension_numbers = #tpu.dot_dimension_numbers<[1], [0], [0], [1], [0, 0, 1, 1], [], []>, transpose_lhs_hint = false} : vector<1024x128xbf16>, vector<128x16xbf16>, vector<1024x16xf32> -> vector<1024x16xf32>
    %dot_general3A_172 = arith.constant dense<0.000000e+00> : vector<1024x16xf32>
    %dot_general3A_173 = tpu.matmul %convert_element_type3A_167, %slice3A_169, %dot_general3A_172 {dimension_numbers = #tpu.dot_dimension_numbers<[1], [0], [0], [1], [0, 0, 1, 1], [], []>, transpose_lhs_hint = false} : vector<1024x128xbf16>, vector<128x16xbf16>, vector<1024x16xf32> -> vector<1024x16xf32>
    %add3A_174 = arith.addf %dot_general3A_171, %dot_general3A_173 : vector<1024x16xf32>
    %add3A_175 = arith.addf %add3A_161, %add3A_174 : vector<1024x16xf32>
    %get3A_176 = arith.constant 0 : index
    %get3A_177 = arith.constant 7 : index
    %get3A_178 = arith.constant 0 : index
    %get3A_179 = vector.load %arg1[%get3A_176, %get3A_177, %get3A_178] : memref<1024x8x128xf32, #tpu.memory_space<vmem>>, vector<1024x1x128xf32>
    %get3A_180 = vector.shape_cast %get3A_179 : vector<1024x1x128xf32> to vector<1024x128xf32>
    %convert_element_type3A_181 = arith.truncf %get3A_180 : vector<1024x128xf32> to vector<1024x128xbf16>
    %slice3A_182 = vector.extract_strided_slice %convert_element_type3A {offsets = [896, 0], sizes = [128, 16], strides = [1, 1]} : vector<1024x16xbf16> to vector<128x16xbf16>
    %slice3A_183 = vector.extract_strided_slice %convert_element_type3A_79 {offsets = [896, 0], sizes = [128, 16], strides = [1, 1]} : vector<1024x16xbf16> to vector<128x16xbf16>
    %dot_general3A_184 = arith.constant dense<0.000000e+00> : vector<1024x16xf32>
    %dot_general3A_185 = tpu.matmul %convert_element_type3A_181, %slice3A_182, %dot_general3A_184 {dimension_numbers = #tpu.dot_dimension_numbers<[1], [0], [0], [1], [0, 0, 1, 1], [], []>, transpose_lhs_hint = false} : vector<1024x128xbf16>, vector<128x16xbf16>, vector<1024x16xf32> -> vector<1024x16xf32>
    %dot_general3A_186 = arith.constant dense<0.000000e+00> : vector<1024x16xf32>
    %dot_general3A_187 = tpu.matmul %convert_element_type3A_181, %slice3A_183, %dot_general3A_186 {dimension_numbers = #tpu.dot_dimension_numbers<[1], [0], [0], [1], [0, 0, 1, 1], [], []>, transpose_lhs_hint = false} : vector<1024x128xbf16>, vector<128x16xbf16>, vector<1024x16xf32> -> vector<1024x16xf32>
    %add3A_188 = arith.addf %dot_general3A_185, %dot_general3A_187 : vector<1024x16xf32>
    %add3A_189 = arith.addf %add3A_175, %add3A_188 : vector<1024x16xf32>
    %mul3A_190 = vector.broadcast %select_n3A : vector<1024x1xf32> to vector<1024x16xf32>
    %mul3A_191 = arith.mulf %mul3A_190, %add3A_189 : vector<1024x16xf32>
    %get3A_192 = arith.constant 0 : index
    %get3A_193 = arith.constant 0 : index
    %get3A_194 = vector.load %arg3[%get3A_192, %get3A_193] : memref<1x16xf32, #tpu.memory_space<vmem>>, vector<1x16xf32>
    %add3A_195 = vector.broadcast %get3A_194 : vector<1x16xf32> to vector<1024x16xf32>
    %add3A_196 = arith.addf %mul3A_191, %add3A_195 : vector<1024x16xf32>
    %max3A = arith.constant 0.000000e+00 : f32
    %max3A_197 = vector.broadcast %max3A : f32 to vector<1024x16xf32>
    %max3A_198 = arith.maximumf %add3A_196, %max3A_197 : vector<1024x16xf32>
    %get3A_199 = arith.constant 0 : index
    %get3A_200 = arith.constant 0 : index
    %get3A_201 = vector.load %arg4[%get3A_199, %get3A_200] : memref<16x2xf32, #tpu.memory_space<vmem>>, vector<16x2xf32>
    %dot_general3A_202 = arith.constant dense<0.000000e+00> : vector<1024x2xf32>
    %dot_general3A_203 = tpu.matmul %max3A_198, %get3A_201, %dot_general3A_202 {dimension_numbers = #tpu.dot_dimension_numbers<[1], [0], [0], [1], [0, 0, 1, 1], [], []>, precision = #tpu.contract_precision<fp32>, transpose_lhs_hint = false} : vector<1024x16xf32>, vector<16x2xf32>, vector<1024x2xf32> -> vector<1024x2xf32>
    %mul3A_204 = vector.broadcast %select_n3A : vector<1024x1xf32> to vector<1024x2xf32>
    %mul3A_205 = arith.mulf %mul3A_204, %dot_general3A_203 : vector<1024x2xf32>
    %convert_element_type3A_206 = arith.truncf %mul3A_205 : vector<1024x2xf32> to vector<1024x2xbf16>
    %convert_element_type3A_207 = arith.extf %convert_element_type3A_206 : vector<1024x2xbf16> to vector<1024x2xf32>
    %sub3A_208 = arith.subf %mul3A_205, %convert_element_type3A_207 : vector<1024x2xf32>
    %convert_element_type3A_209 = arith.truncf %sub3A_208 : vector<1024x2xf32> to vector<1024x2xbf16>
    %get3A_210 = arith.constant 0 : index
    %get3A_211 = arith.constant 0 : index
    %get3A_212 = arith.constant 0 : index
    %get3A_213 = vector.load %arg1[%get3A_210, %get3A_211, %get3A_212] : memref<1024x8x128xf32, #tpu.memory_space<vmem>>, vector<1024x1x128xf32>
    %get3A_214 = vector.shape_cast %get3A_213 : vector<1024x1x128xf32> to vector<1024x128xf32>
    %convert_element_type3A_215 = arith.truncf %get3A_214 : vector<1024x128xf32> to vector<1024x128xbf16>
    %slice3A_216 = vector.extract_strided_slice %convert_element_type3A_206 {offsets = [0, 0], sizes = [128, 2], strides = [1, 1]} : vector<1024x2xbf16> to vector<128x2xbf16>
    %slice3A_217 = vector.extract_strided_slice %convert_element_type3A_209 {offsets = [0, 0], sizes = [128, 2], strides = [1, 1]} : vector<1024x2xbf16> to vector<128x2xbf16>
    %dot_general3A_218 = arith.constant dense<0.000000e+00> : vector<1024x2xf32>
    %dot_general3A_219 = tpu.matmul %convert_element_type3A_215, %slice3A_216, %dot_general3A_218 {dimension_numbers = #tpu.dot_dimension_numbers<[1], [0], [0], [1], [0, 0, 1, 1], [], []>, transpose_lhs_hint = false} : vector<1024x128xbf16>, vector<128x2xbf16>, vector<1024x2xf32> -> vector<1024x2xf32>
    %dot_general3A_220 = arith.constant dense<0.000000e+00> : vector<1024x2xf32>
    %dot_general3A_221 = tpu.matmul %convert_element_type3A_215, %slice3A_217, %dot_general3A_220 {dimension_numbers = #tpu.dot_dimension_numbers<[1], [0], [0], [1], [0, 0, 1, 1], [], []>, transpose_lhs_hint = false} : vector<1024x128xbf16>, vector<128x2xbf16>, vector<1024x2xf32> -> vector<1024x2xf32>
    %add3A_222 = arith.addf %dot_general3A_219, %dot_general3A_221 : vector<1024x2xf32>
    %get3A_223 = arith.constant 0 : index
    %get3A_224 = arith.constant 1 : index
    %get3A_225 = arith.constant 0 : index
    %get3A_226 = vector.load %arg1[%get3A_223, %get3A_224, %get3A_225] : memref<1024x8x128xf32, #tpu.memory_space<vmem>>, vector<1024x1x128xf32>
    %get3A_227 = vector.shape_cast %get3A_226 : vector<1024x1x128xf32> to vector<1024x128xf32>
    %convert_element_type3A_228 = arith.truncf %get3A_227 : vector<1024x128xf32> to vector<1024x128xbf16>
    %slice3A_229 = vector.extract_strided_slice %convert_element_type3A_206 {offsets = [128, 0], sizes = [128, 2], strides = [1, 1]} : vector<1024x2xbf16> to vector<128x2xbf16>
    %slice3A_230 = vector.extract_strided_slice %convert_element_type3A_209 {offsets = [128, 0], sizes = [128, 2], strides = [1, 1]} : vector<1024x2xbf16> to vector<128x2xbf16>
    %dot_general3A_231 = arith.constant dense<0.000000e+00> : vector<1024x2xf32>
    %dot_general3A_232 = tpu.matmul %convert_element_type3A_228, %slice3A_229, %dot_general3A_231 {dimension_numbers = #tpu.dot_dimension_numbers<[1], [0], [0], [1], [0, 0, 1, 1], [], []>, transpose_lhs_hint = false} : vector<1024x128xbf16>, vector<128x2xbf16>, vector<1024x2xf32> -> vector<1024x2xf32>
    %dot_general3A_233 = arith.constant dense<0.000000e+00> : vector<1024x2xf32>
    %dot_general3A_234 = tpu.matmul %convert_element_type3A_228, %slice3A_230, %dot_general3A_233 {dimension_numbers = #tpu.dot_dimension_numbers<[1], [0], [0], [1], [0, 0, 1, 1], [], []>, transpose_lhs_hint = false} : vector<1024x128xbf16>, vector<128x2xbf16>, vector<1024x2xf32> -> vector<1024x2xf32>
    %add3A_235 = arith.addf %dot_general3A_232, %dot_general3A_234 : vector<1024x2xf32>
    %add3A_236 = arith.addf %add3A_222, %add3A_235 : vector<1024x2xf32>
    %get3A_237 = arith.constant 0 : index
    %get3A_238 = arith.constant 2 : index
    %get3A_239 = arith.constant 0 : index
    %get3A_240 = vector.load %arg1[%get3A_237, %get3A_238, %get3A_239] : memref<1024x8x128xf32, #tpu.memory_space<vmem>>, vector<1024x1x128xf32>
    %get3A_241 = vector.shape_cast %get3A_240 : vector<1024x1x128xf32> to vector<1024x128xf32>
    %convert_element_type3A_242 = arith.truncf %get3A_241 : vector<1024x128xf32> to vector<1024x128xbf16>
    %slice3A_243 = vector.extract_strided_slice %convert_element_type3A_206 {offsets = [256, 0], sizes = [128, 2], strides = [1, 1]} : vector<1024x2xbf16> to vector<128x2xbf16>
    %slice3A_244 = vector.extract_strided_slice %convert_element_type3A_209 {offsets = [256, 0], sizes = [128, 2], strides = [1, 1]} : vector<1024x2xbf16> to vector<128x2xbf16>
    %dot_general3A_245 = arith.constant dense<0.000000e+00> : vector<1024x2xf32>
    %dot_general3A_246 = tpu.matmul %convert_element_type3A_242, %slice3A_243, %dot_general3A_245 {dimension_numbers = #tpu.dot_dimension_numbers<[1], [0], [0], [1], [0, 0, 1, 1], [], []>, transpose_lhs_hint = false} : vector<1024x128xbf16>, vector<128x2xbf16>, vector<1024x2xf32> -> vector<1024x2xf32>
    %dot_general3A_247 = arith.constant dense<0.000000e+00> : vector<1024x2xf32>
    %dot_general3A_248 = tpu.matmul %convert_element_type3A_242, %slice3A_244, %dot_general3A_247 {dimension_numbers = #tpu.dot_dimension_numbers<[1], [0], [0], [1], [0, 0, 1, 1], [], []>, transpose_lhs_hint = false} : vector<1024x128xbf16>, vector<128x2xbf16>, vector<1024x2xf32> -> vector<1024x2xf32>
    %add3A_249 = arith.addf %dot_general3A_246, %dot_general3A_248 : vector<1024x2xf32>
    %add3A_250 = arith.addf %add3A_236, %add3A_249 : vector<1024x2xf32>
    %get3A_251 = arith.constant 0 : index
    %get3A_252 = arith.constant 3 : index
    %get3A_253 = arith.constant 0 : index
    %get3A_254 = vector.load %arg1[%get3A_251, %get3A_252, %get3A_253] : memref<1024x8x128xf32, #tpu.memory_space<vmem>>, vector<1024x1x128xf32>
    %get3A_255 = vector.shape_cast %get3A_254 : vector<1024x1x128xf32> to vector<1024x128xf32>
    %convert_element_type3A_256 = arith.truncf %get3A_255 : vector<1024x128xf32> to vector<1024x128xbf16>
    %slice3A_257 = vector.extract_strided_slice %convert_element_type3A_206 {offsets = [384, 0], sizes = [128, 2], strides = [1, 1]} : vector<1024x2xbf16> to vector<128x2xbf16>
    %slice3A_258 = vector.extract_strided_slice %convert_element_type3A_209 {offsets = [384, 0], sizes = [128, 2], strides = [1, 1]} : vector<1024x2xbf16> to vector<128x2xbf16>
    %dot_general3A_259 = arith.constant dense<0.000000e+00> : vector<1024x2xf32>
    %dot_general3A_260 = tpu.matmul %convert_element_type3A_256, %slice3A_257, %dot_general3A_259 {dimension_numbers = #tpu.dot_dimension_numbers<[1], [0], [0], [1], [0, 0, 1, 1], [], []>, transpose_lhs_hint = false} : vector<1024x128xbf16>, vector<128x2xbf16>, vector<1024x2xf32> -> vector<1024x2xf32>
    %dot_general3A_261 = arith.constant dense<0.000000e+00> : vector<1024x2xf32>
    %dot_general3A_262 = tpu.matmul %convert_element_type3A_256, %slice3A_258, %dot_general3A_261 {dimension_numbers = #tpu.dot_dimension_numbers<[1], [0], [0], [1], [0, 0, 1, 1], [], []>, transpose_lhs_hint = false} : vector<1024x128xbf16>, vector<128x2xbf16>, vector<1024x2xf32> -> vector<1024x2xf32>
    %add3A_263 = arith.addf %dot_general3A_260, %dot_general3A_262 : vector<1024x2xf32>
    %add3A_264 = arith.addf %add3A_250, %add3A_263 : vector<1024x2xf32>
    %get3A_265 = arith.constant 0 : index
    %get3A_266 = arith.constant 4 : index
    %get3A_267 = arith.constant 0 : index
    %get3A_268 = vector.load %arg1[%get3A_265, %get3A_266, %get3A_267] : memref<1024x8x128xf32, #tpu.memory_space<vmem>>, vector<1024x1x128xf32>
    %get3A_269 = vector.shape_cast %get3A_268 : vector<1024x1x128xf32> to vector<1024x128xf32>
    %convert_element_type3A_270 = arith.truncf %get3A_269 : vector<1024x128xf32> to vector<1024x128xbf16>
    %slice3A_271 = vector.extract_strided_slice %convert_element_type3A_206 {offsets = [512, 0], sizes = [128, 2], strides = [1, 1]} : vector<1024x2xbf16> to vector<128x2xbf16>
    %slice3A_272 = vector.extract_strided_slice %convert_element_type3A_209 {offsets = [512, 0], sizes = [128, 2], strides = [1, 1]} : vector<1024x2xbf16> to vector<128x2xbf16>
    %dot_general3A_273 = arith.constant dense<0.000000e+00> : vector<1024x2xf32>
    %dot_general3A_274 = tpu.matmul %convert_element_type3A_270, %slice3A_271, %dot_general3A_273 {dimension_numbers = #tpu.dot_dimension_numbers<[1], [0], [0], [1], [0, 0, 1, 1], [], []>, transpose_lhs_hint = false} : vector<1024x128xbf16>, vector<128x2xbf16>, vector<1024x2xf32> -> vector<1024x2xf32>
    %dot_general3A_275 = arith.constant dense<0.000000e+00> : vector<1024x2xf32>
    %dot_general3A_276 = tpu.matmul %convert_element_type3A_270, %slice3A_272, %dot_general3A_275 {dimension_numbers = #tpu.dot_dimension_numbers<[1], [0], [0], [1], [0, 0, 1, 1], [], []>, transpose_lhs_hint = false} : vector<1024x128xbf16>, vector<128x2xbf16>, vector<1024x2xf32> -> vector<1024x2xf32>
    %add3A_277 = arith.addf %dot_general3A_274, %dot_general3A_276 : vector<1024x2xf32>
    %add3A_278 = arith.addf %add3A_264, %add3A_277 : vector<1024x2xf32>
    %get3A_279 = arith.constant 0 : index
    %get3A_280 = arith.constant 5 : index
    %get3A_281 = arith.constant 0 : index
    %get3A_282 = vector.load %arg1[%get3A_279, %get3A_280, %get3A_281] : memref<1024x8x128xf32, #tpu.memory_space<vmem>>, vector<1024x1x128xf32>
    %get3A_283 = vector.shape_cast %get3A_282 : vector<1024x1x128xf32> to vector<1024x128xf32>
    %convert_element_type3A_284 = arith.truncf %get3A_283 : vector<1024x128xf32> to vector<1024x128xbf16>
    %slice3A_285 = vector.extract_strided_slice %convert_element_type3A_206 {offsets = [640, 0], sizes = [128, 2], strides = [1, 1]} : vector<1024x2xbf16> to vector<128x2xbf16>
    %slice3A_286 = vector.extract_strided_slice %convert_element_type3A_209 {offsets = [640, 0], sizes = [128, 2], strides = [1, 1]} : vector<1024x2xbf16> to vector<128x2xbf16>
    %dot_general3A_287 = arith.constant dense<0.000000e+00> : vector<1024x2xf32>
    %dot_general3A_288 = tpu.matmul %convert_element_type3A_284, %slice3A_285, %dot_general3A_287 {dimension_numbers = #tpu.dot_dimension_numbers<[1], [0], [0], [1], [0, 0, 1, 1], [], []>, transpose_lhs_hint = false} : vector<1024x128xbf16>, vector<128x2xbf16>, vector<1024x2xf32> -> vector<1024x2xf32>
    %dot_general3A_289 = arith.constant dense<0.000000e+00> : vector<1024x2xf32>
    %dot_general3A_290 = tpu.matmul %convert_element_type3A_284, %slice3A_286, %dot_general3A_289 {dimension_numbers = #tpu.dot_dimension_numbers<[1], [0], [0], [1], [0, 0, 1, 1], [], []>, transpose_lhs_hint = false} : vector<1024x128xbf16>, vector<128x2xbf16>, vector<1024x2xf32> -> vector<1024x2xf32>
    %add3A_291 = arith.addf %dot_general3A_288, %dot_general3A_290 : vector<1024x2xf32>
    %add3A_292 = arith.addf %add3A_278, %add3A_291 : vector<1024x2xf32>
    %get3A_293 = arith.constant 0 : index
    %get3A_294 = arith.constant 6 : index
    %get3A_295 = arith.constant 0 : index
    %get3A_296 = vector.load %arg1[%get3A_293, %get3A_294, %get3A_295] : memref<1024x8x128xf32, #tpu.memory_space<vmem>>, vector<1024x1x128xf32>
    %get3A_297 = vector.shape_cast %get3A_296 : vector<1024x1x128xf32> to vector<1024x128xf32>
    %convert_element_type3A_298 = arith.truncf %get3A_297 : vector<1024x128xf32> to vector<1024x128xbf16>
    %slice3A_299 = vector.extract_strided_slice %convert_element_type3A_206 {offsets = [768, 0], sizes = [128, 2], strides = [1, 1]} : vector<1024x2xbf16> to vector<128x2xbf16>
    %slice3A_300 = vector.extract_strided_slice %convert_element_type3A_209 {offsets = [768, 0], sizes = [128, 2], strides = [1, 1]} : vector<1024x2xbf16> to vector<128x2xbf16>
    %dot_general3A_301 = arith.constant dense<0.000000e+00> : vector<1024x2xf32>
    %dot_general3A_302 = tpu.matmul %convert_element_type3A_298, %slice3A_299, %dot_general3A_301 {dimension_numbers = #tpu.dot_dimension_numbers<[1], [0], [0], [1], [0, 0, 1, 1], [], []>, transpose_lhs_hint = false} : vector<1024x128xbf16>, vector<128x2xbf16>, vector<1024x2xf32> -> vector<1024x2xf32>
    %dot_general3A_303 = arith.constant dense<0.000000e+00> : vector<1024x2xf32>
    %dot_general3A_304 = tpu.matmul %convert_element_type3A_298, %slice3A_300, %dot_general3A_303 {dimension_numbers = #tpu.dot_dimension_numbers<[1], [0], [0], [1], [0, 0, 1, 1], [], []>, transpose_lhs_hint = false} : vector<1024x128xbf16>, vector<128x2xbf16>, vector<1024x2xf32> -> vector<1024x2xf32>
    %add3A_305 = arith.addf %dot_general3A_302, %dot_general3A_304 : vector<1024x2xf32>
    %add3A_306 = arith.addf %add3A_292, %add3A_305 : vector<1024x2xf32>
    %get3A_307 = arith.constant 0 : index
    %get3A_308 = arith.constant 7 : index
    %get3A_309 = arith.constant 0 : index
    %get3A_310 = vector.load %arg1[%get3A_307, %get3A_308, %get3A_309] : memref<1024x8x128xf32, #tpu.memory_space<vmem>>, vector<1024x1x128xf32>
    %get3A_311 = vector.shape_cast %get3A_310 : vector<1024x1x128xf32> to vector<1024x128xf32>
    %convert_element_type3A_312 = arith.truncf %get3A_311 : vector<1024x128xf32> to vector<1024x128xbf16>
    %slice3A_313 = vector.extract_strided_slice %convert_element_type3A_206 {offsets = [896, 0], sizes = [128, 2], strides = [1, 1]} : vector<1024x2xbf16> to vector<128x2xbf16>
    %slice3A_314 = vector.extract_strided_slice %convert_element_type3A_209 {offsets = [896, 0], sizes = [128, 2], strides = [1, 1]} : vector<1024x2xbf16> to vector<128x2xbf16>
    %dot_general3A_315 = arith.constant dense<0.000000e+00> : vector<1024x2xf32>
    %dot_general3A_316 = tpu.matmul %convert_element_type3A_312, %slice3A_313, %dot_general3A_315 {dimension_numbers = #tpu.dot_dimension_numbers<[1], [0], [0], [1], [0, 0, 1, 1], [], []>, transpose_lhs_hint = false} : vector<1024x128xbf16>, vector<128x2xbf16>, vector<1024x2xf32> -> vector<1024x2xf32>
    %dot_general3A_317 = arith.constant dense<0.000000e+00> : vector<1024x2xf32>
    %dot_general3A_318 = tpu.matmul %convert_element_type3A_312, %slice3A_314, %dot_general3A_317 {dimension_numbers = #tpu.dot_dimension_numbers<[1], [0], [0], [1], [0, 0, 1, 1], [], []>, transpose_lhs_hint = false} : vector<1024x128xbf16>, vector<128x2xbf16>, vector<1024x2xf32> -> vector<1024x2xf32>
    %add3A_319 = arith.addf %dot_general3A_316, %dot_general3A_318 : vector<1024x2xf32>
    %add3A_320 = arith.addf %add3A_306, %add3A_319 : vector<1024x2xf32>
    %mul3A_321 = vector.broadcast %select_n3A : vector<1024x1xf32> to vector<1024x2xf32>
    %mul3A_322 = arith.mulf %mul3A_321, %add3A_320 : vector<1024x2xf32>
    %get3A_323 = arith.constant 0 : index
    %get3A_324 = arith.constant 0 : index
    %get3A_325 = vector.load %arg5[%get3A_323, %get3A_324] : memref<1x2xf32, #tpu.memory_space<vmem>>, vector<1x2xf32>
    %add3A_326 = vector.broadcast %get3A_325 : vector<1x2xf32> to vector<1024x2xf32>
    %add3A_327 = arith.addf %mul3A_322, %add3A_326 : vector<1024x2xf32>
    %swap3A = arith.constant 0 : index
    %swap3A_328 = arith.constant 0 : index
    %swap3A_329 = vector.load %arg9[%swap3A, %swap3A_328] : memref<1024x2xf32, #tpu.memory_space<vmem>>, vector<1024x2xf32>
    tpu.vector_store %arg9[%swap3A, %swap3A_328], %add3A_327 {strides = array<i32>} : memref<1024x2xf32, #tpu.memory_space<vmem>>, vector<1024x2xf32>,
    %get3A_330 = arith.constant 0 : index
    %get3A_331 = arith.constant 0 : index
    %get3A_332 = vector.load %arg6[%get3A_330, %get3A_331] : memref<16x16xf32, #tpu.memory_space<vmem>>, vector<16x16xf32>
    %dot_general3A_333 = arith.constant dense<0.000000e+00> : vector<1024x16xf32>
    %dot_general3A_334 = tpu.matmul %max3A_198, %get3A_332, %dot_general3A_333 {dimension_numbers = #tpu.dot_dimension_numbers<[1], [0], [0], [1], [0, 0, 1, 1], [], []>, precision = #tpu.contract_precision<fp32>, transpose_lhs_hint = false} : vector<1024x16xf32>, vector<16x16xf32>, vector<1024x16xf32> -> vector<1024x16xf32>
    %get3A_335 = arith.constant 0 : index
    %get3A_336 = arith.constant 0 : index
    %get3A_337 = vector.load %arg8[%get3A_335, %get3A_336] : memref<1x16xf32, #tpu.memory_space<vmem>>, vector<1x16xf32>
    %add3A_338 = vector.broadcast %get3A_337 : vector<1x16xf32> to vector<1024x16xf32>
    %add3A_339 = arith.addf %dot_general3A_334, %add3A_338 : vector<1024x16xf32>
    %swap3A_340 = arith.constant 0 : index
    %swap3A_341 = arith.constant 0 : index
    %swap3A_342 = vector.load %arg10[%swap3A_340, %swap3A_341] : memref<1024x16xf32, #tpu.memory_space<vmem>>, vector<1024x16xf32>
    tpu.vector_store %arg10[%swap3A_340, %swap3A_341], %add3A_339 {strides = array<i32>} : memref<1024x16xf32, #tpu.memory_space<vmem>>, vector<1024x16xf32>,
    %get3A_343 = arith.constant 0 : index
    %get3A_344 = arith.constant 0 : index
    %get3A_345 = vector.load %arg7[%get3A_343, %get3A_344] : memref<16x16xf32, #tpu.memory_space<vmem>>, vector<16x16xf32>
    %dot_general3A_346 = arith.constant dense<0.000000e+00> : vector<16x1024xf32>
    %dot_general3A_347 = tpu.matmul %get3A_345, %max3A_198, %dot_general3A_346 {dimension_numbers = #tpu.dot_dimension_numbers<[0], [1], [1], [0], [0, 1, 1, 0], [], []>, precision = #tpu.contract_precision<fp32>, transpose_lhs_hint = false} : vector<16x16xf32>, vector<1024x16xf32>, vector<16x1024xf32> -> vector<16x1024xf32>
    %swap3A_348 = arith.constant 0 : index
    %swap3A_349 = arith.constant 0 : index
    %swap3A_350 = vector.load %arg11[%swap3A_348, %swap3A_349] : memref<16x1024xf32, #tpu.memory_space<vmem>>, vector<16x1024xf32>
    tpu.vector_store %arg11[%swap3A_348, %swap3A_349], %dot_general3A_347 {strides = array<i32>} : memref<16x1024xf32, #tpu.memory_space<vmem>>, vector<16x1024xf32>,
    return
  }
}

module attributes {stable_mosaic.version = 14 : i64} {
  func.func @_tc_pairs_body(%arg0: i32, %arg1: memref<128x16xf32, #tpu.memory_space<vmem>>, %arg2: memref<16x1024xf32, #tpu.memory_space<vmem>>, %arg3: memref<1x16xf32, #tpu.memory_space<smem>>, %arg4: memref<1x1xf32, #tpu.memory_space<smem>>, %arg5: memref<128x8x128xf32, #tpu.memory_space<vmem>>) attributes {dimension_semantics = [#tpu.dimension_semantics<arbitrary>], iteration_bounds = array<i64: 8>, scalar_prefetch = 0 : i64, scratch_operands = 0 : i64, tpu.core_type = #tpu.core_type<tc>, window_params = [{transform_indices = @transform_0, window_bounds = array<i64: 128, 16>}, {pipeline_mode = #tpu.pipeline_mode<synchronous>, transform_indices = @transform_1, window_bounds = array<i64: 16, 1024>}, {transform_indices = @transform_2, window_bounds = array<i64: 1, 16>}, {transform_indices = @transform_3, window_bounds = array<i64: 1, 1>}, {transform_indices = @transform_4, window_bounds = array<i64: 128, 8, 128>}]} {
    %get3A = arith.constant 0 : index
    %get3A_0 = arith.constant 0 : index
    %get3A_1 = vector.load %arg1[%get3A, %get3A_0] : memref<128x16xf32, #tpu.memory_space<vmem>>, vector<128x16xf32>
    %get3A_2 = arith.constant 0 : index
    %get3A_3 = arith.constant 0 : index
    %get3A_4 = vector.load %arg2[%get3A_2, %get3A_3] : memref<16x1024xf32, #tpu.memory_space<vmem>>, vector<16x1024xf32>
    %broadcast_in_dim3A = arith.constant 0.000000e+00 : f32
    %broadcast_in_dim3A_5 = vector.broadcast %broadcast_in_dim3A : f32 to vector<128x1024xf32>
    %slice3A = vector.extract_strided_slice %get3A_1 {offsets = [0, 0], sizes = [128, 1], strides = [1, 1]} : vector<128x16xf32> to vector<128x1xf32>
    %slice3A_6 = vector.extract_strided_slice %get3A_4 {offsets = [0, 0], sizes = [1, 1024], strides = [1, 1]} : vector<16x1024xf32> to vector<1x1024xf32>
    %add3A = vector.broadcast %slice3A : vector<128x1xf32> to vector<128x1024xf32>
    %add3A_7 = vector.broadcast %slice3A_6 : vector<1x1024xf32> to vector<128x1024xf32>
    %add3A_8 = arith.addf %add3A, %add3A_7 : vector<128x1024xf32>
    %max3A = arith.constant 0.000000e+00 : f32
    %max3A_9 = vector.broadcast %max3A : f32 to vector<128x1024xf32>
    %max3A_10 = arith.maximumf %add3A_8, %max3A_9 : vector<128x1024xf32>
    %get3A_11 = arith.constant 0 : index
    %get3A_12 = arith.constant 0 : index
    %get3A_13 = memref.load %arg3[%get3A_11, %get3A_12] : memref<1x16xf32, #tpu.memory_space<smem>>
    %mul3A = vector.broadcast %get3A_13 : f32 to vector<128x1024xf32>
    %mul3A_14 = arith.mulf %max3A_10, %mul3A : vector<128x1024xf32>
    %add3A_15 = arith.addf %broadcast_in_dim3A_5, %mul3A_14 : vector<128x1024xf32>
    %slice3A_16 = vector.extract_strided_slice %get3A_1 {offsets = [0, 1], sizes = [128, 1], strides = [1, 1]} : vector<128x16xf32> to vector<128x1xf32>
    %slice3A_17 = vector.extract_strided_slice %get3A_4 {offsets = [1, 0], sizes = [1, 1024], strides = [1, 1]} : vector<16x1024xf32> to vector<1x1024xf32>
    %add3A_18 = vector.broadcast %slice3A_16 : vector<128x1xf32> to vector<128x1024xf32>
    %add3A_19 = vector.broadcast %slice3A_17 : vector<1x1024xf32> to vector<128x1024xf32>
    %add3A_20 = arith.addf %add3A_18, %add3A_19 : vector<128x1024xf32>
    %max3A_21 = arith.constant 0.000000e+00 : f32
    %max3A_22 = vector.broadcast %max3A_21 : f32 to vector<128x1024xf32>
    %max3A_23 = arith.maximumf %add3A_20, %max3A_22 : vector<128x1024xf32>
    %get3A_24 = arith.constant 0 : index
    %get3A_25 = arith.constant 1 : index
    %get3A_26 = memref.load %arg3[%get3A_24, %get3A_25] : memref<1x16xf32, #tpu.memory_space<smem>>
    %mul3A_27 = vector.broadcast %get3A_26 : f32 to vector<128x1024xf32>
    %mul3A_28 = arith.mulf %max3A_23, %mul3A_27 : vector<128x1024xf32>
    %add3A_29 = arith.addf %add3A_15, %mul3A_28 : vector<128x1024xf32>
    %slice3A_30 = vector.extract_strided_slice %get3A_1 {offsets = [0, 2], sizes = [128, 1], strides = [1, 1]} : vector<128x16xf32> to vector<128x1xf32>
    %slice3A_31 = vector.extract_strided_slice %get3A_4 {offsets = [2, 0], sizes = [1, 1024], strides = [1, 1]} : vector<16x1024xf32> to vector<1x1024xf32>
    %add3A_32 = vector.broadcast %slice3A_30 : vector<128x1xf32> to vector<128x1024xf32>
    %add3A_33 = vector.broadcast %slice3A_31 : vector<1x1024xf32> to vector<128x1024xf32>
    %add3A_34 = arith.addf %add3A_32, %add3A_33 : vector<128x1024xf32>
    %max3A_35 = arith.constant 0.000000e+00 : f32
    %max3A_36 = vector.broadcast %max3A_35 : f32 to vector<128x1024xf32>
    %max3A_37 = arith.maximumf %add3A_34, %max3A_36 : vector<128x1024xf32>
    %get3A_38 = arith.constant 0 : index
    %get3A_39 = arith.constant 2 : index
    %get3A_40 = memref.load %arg3[%get3A_38, %get3A_39] : memref<1x16xf32, #tpu.memory_space<smem>>
    %mul3A_41 = vector.broadcast %get3A_40 : f32 to vector<128x1024xf32>
    %mul3A_42 = arith.mulf %max3A_37, %mul3A_41 : vector<128x1024xf32>
    %add3A_43 = arith.addf %add3A_29, %mul3A_42 : vector<128x1024xf32>
    %slice3A_44 = vector.extract_strided_slice %get3A_1 {offsets = [0, 3], sizes = [128, 1], strides = [1, 1]} : vector<128x16xf32> to vector<128x1xf32>
    %slice3A_45 = vector.extract_strided_slice %get3A_4 {offsets = [3, 0], sizes = [1, 1024], strides = [1, 1]} : vector<16x1024xf32> to vector<1x1024xf32>
    %add3A_46 = vector.broadcast %slice3A_44 : vector<128x1xf32> to vector<128x1024xf32>
    %add3A_47 = vector.broadcast %slice3A_45 : vector<1x1024xf32> to vector<128x1024xf32>
    %add3A_48 = arith.addf %add3A_46, %add3A_47 : vector<128x1024xf32>
    %max3A_49 = arith.constant 0.000000e+00 : f32
    %max3A_50 = vector.broadcast %max3A_49 : f32 to vector<128x1024xf32>
    %max3A_51 = arith.maximumf %add3A_48, %max3A_50 : vector<128x1024xf32>
    %get3A_52 = arith.constant 0 : index
    %get3A_53 = arith.constant 3 : index
    %get3A_54 = memref.load %arg3[%get3A_52, %get3A_53] : memref<1x16xf32, #tpu.memory_space<smem>>
    %mul3A_55 = vector.broadcast %get3A_54 : f32 to vector<128x1024xf32>
    %mul3A_56 = arith.mulf %max3A_51, %mul3A_55 : vector<128x1024xf32>
    %add3A_57 = arith.addf %add3A_43, %mul3A_56 : vector<128x1024xf32>
    %slice3A_58 = vector.extract_strided_slice %get3A_1 {offsets = [0, 4], sizes = [128, 1], strides = [1, 1]} : vector<128x16xf32> to vector<128x1xf32>
    %slice3A_59 = vector.extract_strided_slice %get3A_4 {offsets = [4, 0], sizes = [1, 1024], strides = [1, 1]} : vector<16x1024xf32> to vector<1x1024xf32>
    %add3A_60 = vector.broadcast %slice3A_58 : vector<128x1xf32> to vector<128x1024xf32>
    %add3A_61 = vector.broadcast %slice3A_59 : vector<1x1024xf32> to vector<128x1024xf32>
    %add3A_62 = arith.addf %add3A_60, %add3A_61 : vector<128x1024xf32>
    %max3A_63 = arith.constant 0.000000e+00 : f32
    %max3A_64 = vector.broadcast %max3A_63 : f32 to vector<128x1024xf32>
    %max3A_65 = arith.maximumf %add3A_62, %max3A_64 : vector<128x1024xf32>
    %get3A_66 = arith.constant 0 : index
    %get3A_67 = arith.constant 4 : index
    %get3A_68 = memref.load %arg3[%get3A_66, %get3A_67] : memref<1x16xf32, #tpu.memory_space<smem>>
    %mul3A_69 = vector.broadcast %get3A_68 : f32 to vector<128x1024xf32>
    %mul3A_70 = arith.mulf %max3A_65, %mul3A_69 : vector<128x1024xf32>
    %add3A_71 = arith.addf %add3A_57, %mul3A_70 : vector<128x1024xf32>
    %slice3A_72 = vector.extract_strided_slice %get3A_1 {offsets = [0, 5], sizes = [128, 1], strides = [1, 1]} : vector<128x16xf32> to vector<128x1xf32>
    %slice3A_73 = vector.extract_strided_slice %get3A_4 {offsets = [5, 0], sizes = [1, 1024], strides = [1, 1]} : vector<16x1024xf32> to vector<1x1024xf32>
    %add3A_74 = vector.broadcast %slice3A_72 : vector<128x1xf32> to vector<128x1024xf32>
    %add3A_75 = vector.broadcast %slice3A_73 : vector<1x1024xf32> to vector<128x1024xf32>
    %add3A_76 = arith.addf %add3A_74, %add3A_75 : vector<128x1024xf32>
    %max3A_77 = arith.constant 0.000000e+00 : f32
    %max3A_78 = vector.broadcast %max3A_77 : f32 to vector<128x1024xf32>
    %max3A_79 = arith.maximumf %add3A_76, %max3A_78 : vector<128x1024xf32>
    %get3A_80 = arith.constant 0 : index
    %get3A_81 = arith.constant 5 : index
    %get3A_82 = memref.load %arg3[%get3A_80, %get3A_81] : memref<1x16xf32, #tpu.memory_space<smem>>
    %mul3A_83 = vector.broadcast %get3A_82 : f32 to vector<128x1024xf32>
    %mul3A_84 = arith.mulf %max3A_79, %mul3A_83 : vector<128x1024xf32>
    %add3A_85 = arith.addf %add3A_71, %mul3A_84 : vector<128x1024xf32>
    %slice3A_86 = vector.extract_strided_slice %get3A_1 {offsets = [0, 6], sizes = [128, 1], strides = [1, 1]} : vector<128x16xf32> to vector<128x1xf32>
    %slice3A_87 = vector.extract_strided_slice %get3A_4 {offsets = [6, 0], sizes = [1, 1024], strides = [1, 1]} : vector<16x1024xf32> to vector<1x1024xf32>
    %add3A_88 = vector.broadcast %slice3A_86 : vector<128x1xf32> to vector<128x1024xf32>
    %add3A_89 = vector.broadcast %slice3A_87 : vector<1x1024xf32> to vector<128x1024xf32>
    %add3A_90 = arith.addf %add3A_88, %add3A_89 : vector<128x1024xf32>
    %max3A_91 = arith.constant 0.000000e+00 : f32
    %max3A_92 = vector.broadcast %max3A_91 : f32 to vector<128x1024xf32>
    %max3A_93 = arith.maximumf %add3A_90, %max3A_92 : vector<128x1024xf32>
    %get3A_94 = arith.constant 0 : index
    %get3A_95 = arith.constant 6 : index
    %get3A_96 = memref.load %arg3[%get3A_94, %get3A_95] : memref<1x16xf32, #tpu.memory_space<smem>>
    %mul3A_97 = vector.broadcast %get3A_96 : f32 to vector<128x1024xf32>
    %mul3A_98 = arith.mulf %max3A_93, %mul3A_97 : vector<128x1024xf32>
    %add3A_99 = arith.addf %add3A_85, %mul3A_98 : vector<128x1024xf32>
    %slice3A_100 = vector.extract_strided_slice %get3A_1 {offsets = [0, 7], sizes = [128, 1], strides = [1, 1]} : vector<128x16xf32> to vector<128x1xf32>
    %slice3A_101 = vector.extract_strided_slice %get3A_4 {offsets = [7, 0], sizes = [1, 1024], strides = [1, 1]} : vector<16x1024xf32> to vector<1x1024xf32>
    %add3A_102 = vector.broadcast %slice3A_100 : vector<128x1xf32> to vector<128x1024xf32>
    %add3A_103 = vector.broadcast %slice3A_101 : vector<1x1024xf32> to vector<128x1024xf32>
    %add3A_104 = arith.addf %add3A_102, %add3A_103 : vector<128x1024xf32>
    %max3A_105 = arith.constant 0.000000e+00 : f32
    %max3A_106 = vector.broadcast %max3A_105 : f32 to vector<128x1024xf32>
    %max3A_107 = arith.maximumf %add3A_104, %max3A_106 : vector<128x1024xf32>
    %get3A_108 = arith.constant 0 : index
    %get3A_109 = arith.constant 7 : index
    %get3A_110 = memref.load %arg3[%get3A_108, %get3A_109] : memref<1x16xf32, #tpu.memory_space<smem>>
    %mul3A_111 = vector.broadcast %get3A_110 : f32 to vector<128x1024xf32>
    %mul3A_112 = arith.mulf %max3A_107, %mul3A_111 : vector<128x1024xf32>
    %add3A_113 = arith.addf %add3A_99, %mul3A_112 : vector<128x1024xf32>
    %slice3A_114 = vector.extract_strided_slice %get3A_1 {offsets = [0, 8], sizes = [128, 1], strides = [1, 1]} : vector<128x16xf32> to vector<128x1xf32>
    %slice3A_115 = vector.extract_strided_slice %get3A_4 {offsets = [8, 0], sizes = [1, 1024], strides = [1, 1]} : vector<16x1024xf32> to vector<1x1024xf32>
    %add3A_116 = vector.broadcast %slice3A_114 : vector<128x1xf32> to vector<128x1024xf32>
    %add3A_117 = vector.broadcast %slice3A_115 : vector<1x1024xf32> to vector<128x1024xf32>
    %add3A_118 = arith.addf %add3A_116, %add3A_117 : vector<128x1024xf32>
    %max3A_119 = arith.constant 0.000000e+00 : f32
    %max3A_120 = vector.broadcast %max3A_119 : f32 to vector<128x1024xf32>
    %max3A_121 = arith.maximumf %add3A_118, %max3A_120 : vector<128x1024xf32>
    %get3A_122 = arith.constant 0 : index
    %get3A_123 = arith.constant 8 : index
    %get3A_124 = memref.load %arg3[%get3A_122, %get3A_123] : memref<1x16xf32, #tpu.memory_space<smem>>
    %mul3A_125 = vector.broadcast %get3A_124 : f32 to vector<128x1024xf32>
    %mul3A_126 = arith.mulf %max3A_121, %mul3A_125 : vector<128x1024xf32>
    %add3A_127 = arith.addf %add3A_113, %mul3A_126 : vector<128x1024xf32>
    %slice3A_128 = vector.extract_strided_slice %get3A_1 {offsets = [0, 9], sizes = [128, 1], strides = [1, 1]} : vector<128x16xf32> to vector<128x1xf32>
    %slice3A_129 = vector.extract_strided_slice %get3A_4 {offsets = [9, 0], sizes = [1, 1024], strides = [1, 1]} : vector<16x1024xf32> to vector<1x1024xf32>
    %add3A_130 = vector.broadcast %slice3A_128 : vector<128x1xf32> to vector<128x1024xf32>
    %add3A_131 = vector.broadcast %slice3A_129 : vector<1x1024xf32> to vector<128x1024xf32>
    %add3A_132 = arith.addf %add3A_130, %add3A_131 : vector<128x1024xf32>
    %max3A_133 = arith.constant 0.000000e+00 : f32
    %max3A_134 = vector.broadcast %max3A_133 : f32 to vector<128x1024xf32>
    %max3A_135 = arith.maximumf %add3A_132, %max3A_134 : vector<128x1024xf32>
    %get3A_136 = arith.constant 0 : index
    %get3A_137 = arith.constant 9 : index
    %get3A_138 = memref.load %arg3[%get3A_136, %get3A_137] : memref<1x16xf32, #tpu.memory_space<smem>>
    %mul3A_139 = vector.broadcast %get3A_138 : f32 to vector<128x1024xf32>
    %mul3A_140 = arith.mulf %max3A_135, %mul3A_139 : vector<128x1024xf32>
    %add3A_141 = arith.addf %add3A_127, %mul3A_140 : vector<128x1024xf32>
    %slice3A_142 = vector.extract_strided_slice %get3A_1 {offsets = [0, 10], sizes = [128, 1], strides = [1, 1]} : vector<128x16xf32> to vector<128x1xf32>
    %slice3A_143 = vector.extract_strided_slice %get3A_4 {offsets = [10, 0], sizes = [1, 1024], strides = [1, 1]} : vector<16x1024xf32> to vector<1x1024xf32>
    %add3A_144 = vector.broadcast %slice3A_142 : vector<128x1xf32> to vector<128x1024xf32>
    %add3A_145 = vector.broadcast %slice3A_143 : vector<1x1024xf32> to vector<128x1024xf32>
    %add3A_146 = arith.addf %add3A_144, %add3A_145 : vector<128x1024xf32>
    %max3A_147 = arith.constant 0.000000e+00 : f32
    %max3A_148 = vector.broadcast %max3A_147 : f32 to vector<128x1024xf32>
    %max3A_149 = arith.maximumf %add3A_146, %max3A_148 : vector<128x1024xf32>
    %get3A_150 = arith.constant 0 : index
    %get3A_151 = arith.constant 10 : index
    %get3A_152 = memref.load %arg3[%get3A_150, %get3A_151] : memref<1x16xf32, #tpu.memory_space<smem>>
    %mul3A_153 = vector.broadcast %get3A_152 : f32 to vector<128x1024xf32>
    %mul3A_154 = arith.mulf %max3A_149, %mul3A_153 : vector<128x1024xf32>
    %add3A_155 = arith.addf %add3A_141, %mul3A_154 : vector<128x1024xf32>
    %slice3A_156 = vector.extract_strided_slice %get3A_1 {offsets = [0, 11], sizes = [128, 1], strides = [1, 1]} : vector<128x16xf32> to vector<128x1xf32>
    %slice3A_157 = vector.extract_strided_slice %get3A_4 {offsets = [11, 0], sizes = [1, 1024], strides = [1, 1]} : vector<16x1024xf32> to vector<1x1024xf32>
    %add3A_158 = vector.broadcast %slice3A_156 : vector<128x1xf32> to vector<128x1024xf32>
    %add3A_159 = vector.broadcast %slice3A_157 : vector<1x1024xf32> to vector<128x1024xf32>
    %add3A_160 = arith.addf %add3A_158, %add3A_159 : vector<128x1024xf32>
    %max3A_161 = arith.constant 0.000000e+00 : f32
    %max3A_162 = vector.broadcast %max3A_161 : f32 to vector<128x1024xf32>
    %max3A_163 = arith.maximumf %add3A_160, %max3A_162 : vector<128x1024xf32>
    %get3A_164 = arith.constant 0 : index
    %get3A_165 = arith.constant 11 : index
    %get3A_166 = memref.load %arg3[%get3A_164, %get3A_165] : memref<1x16xf32, #tpu.memory_space<smem>>
    %mul3A_167 = vector.broadcast %get3A_166 : f32 to vector<128x1024xf32>
    %mul3A_168 = arith.mulf %max3A_163, %mul3A_167 : vector<128x1024xf32>
    %add3A_169 = arith.addf %add3A_155, %mul3A_168 : vector<128x1024xf32>
    %slice3A_170 = vector.extract_strided_slice %get3A_1 {offsets = [0, 12], sizes = [128, 1], strides = [1, 1]} : vector<128x16xf32> to vector<128x1xf32>
    %slice3A_171 = vector.extract_strided_slice %get3A_4 {offsets = [12, 0], sizes = [1, 1024], strides = [1, 1]} : vector<16x1024xf32> to vector<1x1024xf32>
    %add3A_172 = vector.broadcast %slice3A_170 : vector<128x1xf32> to vector<128x1024xf32>
    %add3A_173 = vector.broadcast %slice3A_171 : vector<1x1024xf32> to vector<128x1024xf32>
    %add3A_174 = arith.addf %add3A_172, %add3A_173 : vector<128x1024xf32>
    %max3A_175 = arith.constant 0.000000e+00 : f32
    %max3A_176 = vector.broadcast %max3A_175 : f32 to vector<128x1024xf32>
    %max3A_177 = arith.maximumf %add3A_174, %max3A_176 : vector<128x1024xf32>
    %get3A_178 = arith.constant 0 : index
    %get3A_179 = arith.constant 12 : index
    %get3A_180 = memref.load %arg3[%get3A_178, %get3A_179] : memref<1x16xf32, #tpu.memory_space<smem>>
    %mul3A_181 = vector.broadcast %get3A_180 : f32 to vector<128x1024xf32>
    %mul3A_182 = arith.mulf %max3A_177, %mul3A_181 : vector<128x1024xf32>
    %add3A_183 = arith.addf %add3A_169, %mul3A_182 : vector<128x1024xf32>
    %slice3A_184 = vector.extract_strided_slice %get3A_1 {offsets = [0, 13], sizes = [128, 1], strides = [1, 1]} : vector<128x16xf32> to vector<128x1xf32>
    %slice3A_185 = vector.extract_strided_slice %get3A_4 {offsets = [13, 0], sizes = [1, 1024], strides = [1, 1]} : vector<16x1024xf32> to vector<1x1024xf32>
    %add3A_186 = vector.broadcast %slice3A_184 : vector<128x1xf32> to vector<128x1024xf32>
    %add3A_187 = vector.broadcast %slice3A_185 : vector<1x1024xf32> to vector<128x1024xf32>
    %add3A_188 = arith.addf %add3A_186, %add3A_187 : vector<128x1024xf32>
    %max3A_189 = arith.constant 0.000000e+00 : f32
    %max3A_190 = vector.broadcast %max3A_189 : f32 to vector<128x1024xf32>
    %max3A_191 = arith.maximumf %add3A_188, %max3A_190 : vector<128x1024xf32>
    %get3A_192 = arith.constant 0 : index
    %get3A_193 = arith.constant 13 : index
    %get3A_194 = memref.load %arg3[%get3A_192, %get3A_193] : memref<1x16xf32, #tpu.memory_space<smem>>
    %mul3A_195 = vector.broadcast %get3A_194 : f32 to vector<128x1024xf32>
    %mul3A_196 = arith.mulf %max3A_191, %mul3A_195 : vector<128x1024xf32>
    %add3A_197 = arith.addf %add3A_183, %mul3A_196 : vector<128x1024xf32>
    %slice3A_198 = vector.extract_strided_slice %get3A_1 {offsets = [0, 14], sizes = [128, 1], strides = [1, 1]} : vector<128x16xf32> to vector<128x1xf32>
    %slice3A_199 = vector.extract_strided_slice %get3A_4 {offsets = [14, 0], sizes = [1, 1024], strides = [1, 1]} : vector<16x1024xf32> to vector<1x1024xf32>
    %add3A_200 = vector.broadcast %slice3A_198 : vector<128x1xf32> to vector<128x1024xf32>
    %add3A_201 = vector.broadcast %slice3A_199 : vector<1x1024xf32> to vector<128x1024xf32>
    %add3A_202 = arith.addf %add3A_200, %add3A_201 : vector<128x1024xf32>
    %max3A_203 = arith.constant 0.000000e+00 : f32
    %max3A_204 = vector.broadcast %max3A_203 : f32 to vector<128x1024xf32>
    %max3A_205 = arith.maximumf %add3A_202, %max3A_204 : vector<128x1024xf32>
    %get3A_206 = arith.constant 0 : index
    %get3A_207 = arith.constant 14 : index
    %get3A_208 = memref.load %arg3[%get3A_206, %get3A_207] : memref<1x16xf32, #tpu.memory_space<smem>>
    %mul3A_209 = vector.broadcast %get3A_208 : f32 to vector<128x1024xf32>
    %mul3A_210 = arith.mulf %max3A_205, %mul3A_209 : vector<128x1024xf32>
    %add3A_211 = arith.addf %add3A_197, %mul3A_210 : vector<128x1024xf32>
    %slice3A_212 = vector.extract_strided_slice %get3A_1 {offsets = [0, 15], sizes = [128, 1], strides = [1, 1]} : vector<128x16xf32> to vector<128x1xf32>
    %slice3A_213 = vector.extract_strided_slice %get3A_4 {offsets = [15, 0], sizes = [1, 1024], strides = [1, 1]} : vector<16x1024xf32> to vector<1x1024xf32>
    %add3A_214 = vector.broadcast %slice3A_212 : vector<128x1xf32> to vector<128x1024xf32>
    %add3A_215 = vector.broadcast %slice3A_213 : vector<1x1024xf32> to vector<128x1024xf32>
    %add3A_216 = arith.addf %add3A_214, %add3A_215 : vector<128x1024xf32>
    %max3A_217 = arith.constant 0.000000e+00 : f32
    %max3A_218 = vector.broadcast %max3A_217 : f32 to vector<128x1024xf32>
    %max3A_219 = arith.maximumf %add3A_216, %max3A_218 : vector<128x1024xf32>
    %get3A_220 = arith.constant 0 : index
    %get3A_221 = arith.constant 15 : index
    %get3A_222 = memref.load %arg3[%get3A_220, %get3A_221] : memref<1x16xf32, #tpu.memory_space<smem>>
    %mul3A_223 = vector.broadcast %get3A_222 : f32 to vector<128x1024xf32>
    %mul3A_224 = arith.mulf %max3A_219, %mul3A_223 : vector<128x1024xf32>
    %add3A_225 = arith.addf %add3A_211, %mul3A_224 : vector<128x1024xf32>
    %get3A_226 = arith.constant 0 : index
    %get3A_227 = arith.constant 0 : index
    %get3A_228 = memref.load %arg4[%get3A_226, %get3A_227] : memref<1x1xf32, #tpu.memory_space<smem>>
    %add3A_229 = vector.broadcast %get3A_228 : f32 to vector<128x1024xf32>
    %add3A_230 = arith.addf %add3A_225, %add3A_229 : vector<128x1024xf32>
    %neg3A = arith.constant 0.000000e+00 : f32
    %neg3A_231 = vector.broadcast %neg3A : f32 to vector<128x1024xf32>
    %neg3A_232 = arith.subf %neg3A_231, %add3A_230 : vector<128x1024xf32>
    %exp3A = math.exp %neg3A_232 : vector<128x1024xf32>
    %add3A_233 = arith.constant 1.000000e+00 : f32
    %add3A_234 = vector.broadcast %add3A_233 : f32 to vector<128x1024xf32>
    %add3A_235 = arith.addf %add3A_234, %exp3A : vector<128x1024xf32>
    %div3A = arith.constant 1.000000e+00 : f32
    %div3A_236 = vector.broadcast %div3A : f32 to vector<128x1024xf32>
    %div3A_237 = arith.divf %div3A_236, %add3A_235 : vector<128x1024xf32>
    %reshape3A = vector.shape_cast %div3A_237 : vector<128x1024xf32> to vector<128x8x128xf32>
    %swap3A = arith.constant 0 : index
    %swap3A_238 = arith.constant 0 : index
    %swap3A_239 = arith.constant 0 : index
    %swap3A_240 = vector.load %arg5[%swap3A, %swap3A_238, %swap3A_239] : memref<128x8x128xf32, #tpu.memory_space<vmem>>, vector<128x8x128xf32>
    tpu.vector_store %arg5[%swap3A, %swap3A_238, %swap3A_239], %reshape3A {strides = array<i32>} : memref<128x8x128xf32, #tpu.memory_space<vmem>>, vector<128x8x128xf32>,
    return
  }
  func.func @transform_0(%arg0: i32) -> (i32, i32) {
    %c0_i32 = arith.constant 0 : i32
    %c0_i32_0 = arith.constant 0 : i32
    return %arg0, %c0_i32 : i32, i32
  }
  func.func @transform_1(%arg0: i32) -> (i32, i32) {
    %c0_i32 = arith.constant 0 : i32
    %c0_i32_0 = arith.constant 0 : i32
    %c0_i32_1 = arith.constant 0 : i32
    return %c0_i32, %c0_i32_0 : i32, i32
  }
  func.func @transform_2(%arg0: i32) -> (i32, i32) {
    %c0_i32 = arith.constant 0 : i32
    %c0_i32_0 = arith.constant 0 : i32
    %c0_i32_1 = arith.constant 0 : i32
    return %c0_i32, %c0_i32_0 : i32, i32
  }
  func.func @transform_3(%arg0: i32) -> (i32, i32) {
    %c0_i32 = arith.constant 0 : i32
    %c0_i32_0 = arith.constant 0 : i32
    %c0_i32_1 = arith.constant 0 : i32
    return %c0_i32, %c0_i32_0 : i32, i32
  }
  func.func @transform_4(%arg0: i32) -> (i32, i32, i32) {
    %c0_i32 = arith.constant 0 : i32
    %c0_i32_0 = arith.constant 0 : i32
    %c0_i32_1 = arith.constant 0 : i32
    return %arg0, %c0_i32, %c0_i32_0 : i32, i32, i32
  }
}

</mosaic_0001>

<sc_bundles>
// kernel: kernel.6.cloned.1.call-start
scs
__scs_entry_jumppad:
0x0: {  	(pc) =	sbr.rel $0x88, $3  }
0x1: {  	(tag) =	ssettag $0x0;
	lr =	simm.s32 $0x1  }
0x2: {  	[smem:$0x3F97] =	sst lr;
	_ =	strace $0xD0000000  }
0x3: {  	_ = 	snop  }
0x4: {  	_ = 	snop  }
0x5: {  	_ = 	snop  }
0x6: {  	_ = 	snop  }
0x7: {  	_ = 	snop  }
__scs_overlays_trampoline_lowered:
0x8: {  	[smem:$0x3FA6] =	sst s0  }
0x9: {  	[smem:$0x3FA7] =	sst s1  }
0xa: {  	[smem:$0x3FA8] =	sst s2  }
0xb: {  	[smem:$0x3FA9] =	sst s3  }
0xc: {  	[smem:$0x3FAA] =	sst s4  }
0xd: {  	[smem:$0x3FAB] =	sst s5  }
0xe: {  	[smem:$0x3FAC] =	sst s6  }
0xf: {  	[smem:$0x3FAD] =	sst s7  }
0x10: {  	[smem:$0x3FAE] =	sst s8  }
0x11: {  	[smem:$0x3FAF] =	sst s9;
	s0 =	simm.s32 @!p0 $0x0  }
0x12: {  	s1 =	sld [smem:$0x3F95];
	s0 =	simm.s32 @p0 $0x1  }
0x13: {  	[smem:$0x3FB0] =	sst s0;
	s0 =	simm.s32 @!p1 $0x0  }
0x14: {  	s2 =	sld [smem:$0x3F94];
	s0 =	simm.s32 @p1 $0x1  }
0x15: {  	[smem:$0x3FB1] =	sst s0;
	s0 =	simm.s32 @!p2 $0x0  }
0x16: {  	s3 =	sld [smem:$0x3FDB];
	s0 =	simm.s32 @p2 $0x1  }
0x17: {  	s4 =	simm.s32 $0x1BF5;
	[smem:$0x3FB3] =	sst s0  }
0x18: {  	s0 =	sld [smem:$0x3F96];
	_ =	swait.ge [sflag:s4], $0x0  }
0x19: {  	s7 =	sld [smem:$0x3F97]  }
0x1a: {  	s8 =	sadd.s32 $0xFFFFE003, lr  }
0x1b: {  	s9 =	sadd.s32 $0xFFFFFEF7, lr;
	s5 =	simm.s32 $0xFFFFFFFF;
	p2 =	slt.u32 s8, $0xFFFFF086  }
0x1c: {  	p1 =	slt.u32 s9, $0xF7A;
	s5 =	simm.s32 @!p2 $0x0  }
0x1d: {  	s5 =	simm.s32 @p1 $0x1;
	p0 =	seq.s32 s7, s2  }
0x1e: {  	s7 =	smul.u32 @!p0 $0xF7A, s2;
	p2 =	seq.s32 @!p0 s5, $0x0  }
0x1f: {  	s9 =	smul.u32 $0xF7A, s1;
	s8 =	simm.s32 @!p0 $0x1BF5;
	p2 =	por !p2, p0  }
0x20: {  	[sflag:s8] =	ssyncset.s32 @!p0 $0xFFFFF086;
	s6 =	sadd.s32 @!p0 s3, s7;
	s7 =	simm.s32 @!p0 $0x108  }
0x21: {  	s3 =	sadd.s32 s3, s9;
	s6 =	sadd.s32 @!p0 $0x88, s6;
	s7 =	simm.s32 @p2 $0x1082  }
0x22: {  	[simem:s7], [sflag:s8] =	dma.local @!p0 [hbm:s6], $0xF7A  }
0x23: {  	s9 =	sor.u32 $0xD0000000, s2;
	s6 =	simm.s32 $0x108;
	_ =	swait.ge @!p0 [sflag:s8], $0x0  }
0x24: {  	s3 =	sadd.s32 $0x88, s3;
	s6 =	simm.s32 @!p1 $0x1082;
	[sflag:s4] =	ssyncset.s32 $0xFFFFF086  }
0x25: {  	[simem:s6], [sflag:s4] =	dma.local [hbm:s3], $0xF7A  }
0x26: {  	[smem:$0x3F97] =	sst s1;
	(tag) =	ssettag s2;
	_ =	strace s9  }
0x27: {  	s1 =	sld [smem:$0x3FA7]  }
0x28: {  	s2 =	sld [smem:$0x3FA8]  }
0x29: {  	s4 =	sld [smem:$0x3FAA]  }
0x2a: {  	p0 =	seq.s32 s5, $0x0;
	s5 =	sld [smem:$0x3FAB]  }
0x2b: {  	s6 =	sld [smem:$0x3FAC]  }
0x2c: {  	s7 =	sld [smem:$0x3FAD]  }
0x2d: {  	s3 =	simm.s32 $0x108;
	s8 =	sld [smem:$0x3FAE]  }
0x2e: {  	s3 =	simm.s32 @!p0 $0x1082;
	s9 =	sld [smem:$0x3FAF]  }
0x2f: {  	lr =	sadd.s32 s0, s3;
	s0 =	sld [smem:$0x3FA6]  }
0x30: {  	s3 =	sld [smem:$0x3FA9]  }
0x31: {  	[smem:$0x3FB2] =	sst s10  }
0x32: {  	s10 =	sld [smem:$0x3FB0];
	_ =	sdelay $0x3  }
0x33: {  	p0 =	seq.s32 s10, $0x1;
	s10 =	sld [smem:$0x3FB2];
	_ =	sdelay $0x3  }
0x34: {  	[smem:$0x3FB2] =	sst s10  }
0x35: {  	s10 =	sld [smem:$0x3FB1];
	_ =	sdelay $0x3  }
0x36: {  	p1 =	seq.s32 s10, $0x1;
	s10 =	sld [smem:$0x3FB2];
	_ =	sdelay $0x3  }
0x37: {  	[smem:$0x3FB2] =	sst s10  }
0x38: {  	s10 =	sld [smem:$0x3FB3]  }
0x39: {  	_ = 	snop;
	(pc) =	sbr.ind lr, $3  }
0x3a: {  	_ = 	snop  }
0x3b: {  	_ = 	snop  }
0x3c: {  	p2 =	seq.s32 s10, $0x1;
	s10 =	sld [smem:$0x3FB2]  }
0x3d: {  	_ =	shalt  }
0x3e: {  	_ =	shalt  }
0x3f: {  	_ =	shalt  }
0x40: {  	_ =	shalt  }
0x41: {  	_ =	shalt  }
0x42: {  	_ =	shalt  }
0x43: {  	_ =	shalt  }
0x44: {  	_ =	shalt  }
0x45: {  	_ =	shalt  }
0x46: {  	_ =	shalt  }
0x47: {  	_ =	shalt  }
0x48: {  	_ =	shalt  }
0x49: {  	_ =	shalt  }
0x4a: {  	_ =	shalt  }
0x4b: {  	_ =	shalt  }
0x4c: {  	_ =	shalt  }
0x4d: {  	_ =	shalt  }
0x4e: {  	_ =	shalt  }
0x4f: {  	_ =	shalt  }
0x50: {  	_ =	shalt  }
0x51: {  	_ =	shalt  }
0x52: {  	_ =	shalt  }
0x53: {  	_ =	shalt  }
0x54: {  	_ =	shalt  }
0x55: {  	_ =	shalt  }
0x56: {  	_ =	shalt  }
0x57: {  	_ =	shalt  }
0x58: {  	_ =	shalt  }
0x59: {  	_ =	shalt  }
0x5a: {  	_ =	shalt  }
0x5b: {  	_ =	shalt  }
0x5c: {  	_ =	shalt  }
0x5d: {  	_ =	shalt  }
0x5e: {  	_ =	shalt  }
0x5f: {  	_ =	shalt  }
0x60: {  	_ =	shalt  }
0x61: {  	_ =	shalt  }
0x62: {  	_ =	shalt  }
0x63: {  	_ =	shalt  }
0x64: {  	_ =	shalt  }
0x65: {  	_ =	shalt  }
0x66: {  	_ =	shalt  }
0x67: {  	_ =	shalt  }
0x68: {  	_ =	shalt  }
0x69: {  	_ =	shalt  }
0x6a: {  	_ =	shalt  }
0x6b: {  	_ =	shalt  }
0x6c: {  	_ =	shalt  }
0x6d: {  	_ =	shalt  }
0x6e: {  	_ =	shalt  }
0x6f: {  	_ =	shalt  }
0x70: {  	_ =	shalt  }
0x71: {  	_ =	shalt  }
0x72: {  	_ =	shalt  }
0x73: {  	_ =	shalt  }
0x74: {  	_ =	shalt  }
0x75: {  	_ =	shalt  }
0x76: {  	_ =	shalt  }
0x77: {  	_ =	shalt  }
0x78: {  	_ =	shalt  }
0x79: {  	_ =	shalt  }
0x7a: {  	_ =	shalt  }
0x7b: {  	_ =	shalt  }
0x7c: {  	_ =	shalt  }
0x7d: {  	_ =	shalt  }
0x7e: {  	_ =	shalt  }
0x7f: {  	_ =	shalt  }
0x80: {  	_ =	shalt  }
0x81: {  	_ =	shalt  }
0x82: {  	_ =	shalt  }
0x83: {  	_ =	shalt  }
0x84: {  	_ =	shalt  }
0x85: {  	_ =	shalt  }
0x86: {  	_ =	shalt  }
0x87: {  	_ =	shalt  }
.Lfunc_end0:
.L_simem_size_0:
called_computation_lowered:
.L_overlay_start_0:
0x88: {  	s2 =	sld [smem:$0x3FD9]  }
0x89: {  	s3 =	sld [smem:$0x3FFE];
	_ =	sdelay $0x1  }
0x8a: {  	s1 =	srdreg.scid  }
0x8b: {  	s0 =	sand.u32 $0x1, s1  }
0x8c: {  	s14 =	sshll.u32 s0, $0xA;
	s2 =	sadd.s32 s3, s2  }
0x8d: {  	s2 =	sadd.s32 s2, s14  }
0x8e: {  	[smem:$0x3FBE] =	sst s2  }
0x8f: {  	_ = 	snop  }
0x90: {  	s2 =	sld [smem:$0x3FD0];
	_ =	sdelay $0x2  }
0x91: {  	s15 =	simm.s32 $0xA;
	s4 =	simm.s32 $0x10  }
0x92: {  	[smem:s4], [sflag:s15] =	dma.local [hbm:s2], $0x1  }
0x93: {  	_ =	swait.eq [sflag:s15], $0x1  }
0x94: {  	[sflag:s15] =	ssyncset.done $0x0  }
0x95: {  	[sflag:s15] =	ssyncadd.s32 $0xFFFFFFFF  }
0x96: {  	s16 =	sld [smem:$0x11];
	(tm) =	ssettm $0x1  }
0x97: {  	s17 =	sld [smem:$0x3FFB];
	_ =	sdelay $0x3  }
0x98: {  	_ =	strace s17  }
0x99: {  	s3 =	sld [smem:$0x3FFC];
	_ =	sdelay $0x3  }
0x9a: {  	_ =	strace s3  }
0x9b: {  	s3 =	sld [smem:$0x3FFD];
	_ =	sdelay $0x3  }
0x9c: {  	_ =	strace s3  }
0x9d: {  	_ =	strace $0x8FFFFFFF  }
0x9e: {  	s18 =	sld [smem:$0x3FDB];
	_ =	sdelay $0x1  }
0x9f: {  	s19 =	simm.s32 $_scs_section_size  }
0xa0: {  	s5 =	simm.s32 $_size__tile_overlayer_lowered;
	s6 =	simm.s32 $_tile_overlayer_lowered  }
0xa1: {  	s22 =	simm.s32 $0x1BFF;
	s21 =	sshll.u32 s6, $0x1;
	s3 =	sadd.s32 s19, s18  }
0xa2: {  	s7 =	simm.s32 $0x0;
	s20 =	sshll.u32 s5, $0x1;
	s5 =	sadd.s32 s21, s3  }
0xa3: {  	[timem:s7], [sflag:s22] =	dma.local [hbm:s5], s20  }
0xa4: {  	_ =	swait.ge [sflag:s22], s20  }
0xa5: {  	s4 =	ssub.s32 $0x0, s20;
	[sflag:s22] =	ssyncset.done $0x0  }
0xa6: {  	[sflag:s22] =	ssyncadd.s32 s4;
	_ =	sdelay $0x1  }
0xa7: {  	s23 =	simm.s32 $0x1B8B  }
0xa8: {  	_ =	swait.ge [sflag:s23], $0x1  }
0xa9: {  	[sflag:s23] =	ssyncset.done $0x0  }
0xaa: {  	s25 =	simm.s32 $0x1B8E;
	s24 =	sld [smem:$0x3FFE];
	[sflag:s23] =	ssyncadd.s32 $0xFFFFFFFF  }
0xab: {  	s26 =	simm.s32 $execute0_lowered;
	[smem:$0x3FD2] =	sst s25  }
0xac: {  	s5 =	sshll.u32 s26, $0x1;
	_ =	strace $0x80000046;
	[dreg:$0x1] =	wrdreg $0xFFFFFFFF  }
0xad: {  	s28 =	simm.s32 $_size_execute0_lowered;
	s3 =	sadd.s32 s3, s5;
	[dreg:$0x0] =	wrdreg $0x0  }
0xae: {  	s5 =	sshll.u32 s28, $0x1;
	[dreg:$0x2] =	wrdreg s3  }
0xaf: {  	[dreg:$0x3] =	wrdreg s5  }
0xb0: {  	[dreg:$0x4] =	wrdreg $0xC0  }
0xb1: {  	_ =	task [dreg:s7], $0x5FFFF  }
0xb2: {  	[dreg:$0x1] =	wrdreg $0xFFFFFFFF  }
0xb3: {  	[dreg:$0x0] =	wrdreg $0x60  }
0xb4: {  	[dreg:$0x2] =	wrdreg s24  }
0xb5: {  	[dreg:$0x3] =	wrdreg s16  }
0xb6: {  	[dreg:$0x4] =	wrdreg $0x9  }
0xb7: {  	_ =	task.clear_ibuf [dreg:s7], $0x5FFFF;
	_ =	strace $0x90000046  }
0xb8: {  	s29 =	simm.s32 $0x9;
	_ =	strace $0x80000048  }
0xb9: {  	_ =	swait.ge [sflag:s29], $0x1  }
0xba: {  	[sflag:s29] =	ssyncadd.s32 $0xFFFFFFFF  }
0xbb: {  	_ =	strace $0x90000048  }
0xbc: {  	_ =	sfence  }
0xbd: {  	s30 =	sld [smem:$0x0];
	_ =	sdelay $0x2  }
0xbe: {  	s31 =	sshll.u32 s1, $0xD;
	s1 =	sshrl.u32 s1, $0x2  }
0xbf: {  	s3 =	sand.u32 $0x4000, s31;
	s1 =	sadd.s32 s1, s30  }
0xc0: {  	s0 =	sor.u32 s3, s0;
	s1 =	sshll.u32 s1, $0x11  }
0xc1: {  	s0 =	sor.u32 s1, s0  }
0xc2: {  	s0 =	sadd.s32 $0x8F2B, s0  }
0xc3: {  	[sflag:s0] =	ssyncadd.remote.s32 $0x1  }
0xc4: {  	_ =	sfence.sel $0xFFFF  }
0xc5: {  	[dreg:$0x0] =	wrdreg $0xFFFFFFFF;
	(pc) =	sbr.abs _section_cstart, $3  }
0xc6: {  	[dreg:$0x1] =	wrdreg $0xFFFFFFFF  }
0xc7: {  	_ =	task.clear_ibuf [dreg:s7], $0x2FFFF;
	_ =	strace $0x9FFFFFFF  }
0xc8: {  	(tm) =	ssettm $0x7FFFFFFF  }
0xc9: {  	_ =	shalt  }
tec
execute0_lowered:
.L_overlay_start_1:
0x0: {  	(tag) =	ssettag $0x1  }
0x1: {  	s5 =	rddreg [dreg:$0x0]  }
0x2: {  	s6 =	rddreg [dreg:$0x1]  }
0x3: {  	s0 =	rddreg [dreg:$0x2]  }
0x4: {  	s2 =	simm.s32 $0x0;
	s3 =	srdreg.scid;
	s1 =	stileid.u32  }
0x5: {  	s11 =	simm.s32 $0x0;
	[smem:$0x7FF] =	sst s2;
	s7 =	sand.u32 $0x1, s3  }
0x6: {  	v0 =	vlaneseq.u32;
	s3 =	sadd.s32 $0x1A00, s5;
	s9 =	sshll.u32 s1, $0x1;
	s4 =	sadd.s32 $0x3A00, s5  }
0x7: {  	v1 =	vmul.u32 $0x401, v0;
	s5 =	sadd.s32 $0x2A00, s5;
	s8 =	ssub.s32 $0x2, s7;
	s7 =	sor.u32 s7, s9  }
0x8: {  	_ =	strace $0x80000047;
	s10 =	sshrl.u32 s8, $0x1;
	s9 =	sshll.u32 s7, $0x5  }
0x9: {  	s31 =	sshll.u32 s7, $0xF;
	s7 =	sshll.u32 s7, $0xC;
	v2 =	vadd.s32 $0x4010, v1;
	s8 =	ssub.s32 s8, s10  }
0xa: {  	s10 =	ssub.s32 $0x0, s31;
	s6 =	sadd.s32 s6, s7;
	v1 =	vor.u32 s9, v1;
	v2 =	vor.u32 s9, v2;
	s9 =	simm.s32 $0x8000  }
0xb: {  	v3 =	vimm.f32 $1.000000000e+00;
	v0 =	vmov s10;
	s7 =	smax.u32 s8, $0x1;
	s8 =	simm.s32 $0x1;
	s10 =	simm.s32 $0x10000  }
.LBB2_1:
0xc: {  	[tilespmem:s2], [sflag:$0x1] =	stream.linear.gather [hbm4b:s3+s2], $0x8000, $0x38;
	[tilespmem:$0x18000] =	vst v63  }
0xd: {  	_ =	swait.ge [sflag:s8], $0x8000  }
0xe: {  	[sflag:s8] =	ssyncset.done $0x0  }
0xf: {  	[sflag:s8] =	ssyncadd.s32 $0xFFFF8000  }
0x10: {  	[tilespmem:s9], [sflag:$0x1] =	stream.linear.gather [hbm4b:s5+s2], $0x8000, $0x38;
	[tilespmem:$0x18000] =	vst v63  }
0x11: {  	_ =	swait.ge [sflag:s8], $0x8000  }
0x12: {  	[sflag:s8] =	ssyncset.done $0x0  }
0x13: {  	[sflag:s8] =	ssyncadd.s32 $0xFFFF8000  }
0x14: {  	[tilespmem:s10], [sflag:$0x1] =	stream.linear.gather [hbm4b:s4+s2], $0x8000, $0x38;
	[tilespmem:$0x18000] =	vst v63  }
0x15: {  	_ =	swait.ge [sflag:s8], $0x8000  }
0x16: {  	[sflag:s8] =	ssyncset.done $0x0  }
0x17: {  	s13 =	simm.s32 $0x40;
	[sflag:s8] =	ssyncadd.s32 $0xFFFF8000  }
0x18: {  	s12 =	simm.s32 $0x8040;
	v4 =	vld [tilespmem:s13+$0x30]  }
0x19: {  	v5 =	vld [tilespmem:s12+$0x30]  }
0x1a: {  	v6 =	vld [tilespmem:s12+$0xFFFFFFC0]  }
0x1b: {  	v7 =	vld [tilespmem:s13+$0xFFFFFFD0]  }
0x1c: {  	v8 =	vld [tilespmem:s12+$0xFFFFFFD0]  }
0x1d: {  	v9 =	vld [tilespmem:s13+$0xFFFFFFE0]  }
0x1e: {  	v10 =	vld [tilespmem:s12+$0xFFFFFFE0]  }
0x1f: {  	v18 =	vld [tilespmem:s13+$0x20]  }
0x20: {  	v12 =	vld [tilespmem:s13+$0xFFFFFFF0];
	v5 =	vshll.u32 v5, $0xA  }
0x21: {  	v13 =	vld [tilespmem:s13+$0x0];
	v11 =	vadd.s32 v0, v4;
	v6 =	vshll.u32 v6, $0xA;
	v4 =	vand.u32 $0x7F, v4  }
0x22: {  	v17 =	vld [tilespmem:s12+$0x10];
	v8 =	vshll.u32 v8, $0xA;
	v14 =	vadd.s32 v0, v7;
	v5 =	vadd.s32 v5, v11  }
0x23: {  	v7 =	vand.u32 $0x7F, v7;
	v11 =	vld [tilespmem:s12+$0xFFFFFFF0];
	vm1 =	vlt.u32 v5, $0x8000;
	v5 =	vand.u32 $0xFFFFFF80, v5  }
0x24: {  	v19 =	vld [tilespmem:s12+$0x20];
	v10 =	vshll.u32 v10, $0xA;
	v22 =	vadd.s32 v0, v18;
	v15 =	vor.u32 v4, v5  }
0x25: {  	v4 =	vld [tilespmem:s12+$0x0];
	v5 =	vadd.s32 v8, v14;
	v8 =	vadd.s32 v0, v9;
	v9 =	vand.u32 $0x7F, v9  }
0x26: {  	v14 =	vld [tilespmem:s13+$0x10];
	v16 =	vand.u32 $0xFFFFFF80, v5;
	v8 =	vadd.s32 v10, v8;
	v10 =	vadd.s32 v0, v12  }
0x27: {  	v12 =	vand.u32 $0x7F, v12;
	vm2 =	vlt.u32 v5, $0x8000;
	v5 =	vand.u32 $0xFFFFFF80, v8  }
0x28: {  	v16 =	vor.u32 v7, v16;
	vm5 =	vlt.u32 v8, $0x8000;
	v11 =	vshll.u32 v11, $0xA  }
0x29: {  	v8 =	vshll.u32 v17, $0xA;
	v10 =	vadd.s32 v11, v10;
	v11 =	vadd.s32 v0, v13  }
0x2a: {  	v20 =	vld [tilespmem:s13+$0xFFFFFFC0];
	v13 =	vand.u32 $0x7F, v13;
	v4 =	vshll.u32 v4, $0xA;
	v63 =	vand.u32 $0xFFFFFF80, v10  }
0x2b: {  	v7 =	vand.u32 $0x7F, v14;
	vm0 =	vlt.u32 v10, $0x8000;
	v10 =	vshll.u32 v19, $0xA  }
0x2c: {  	v11 =	vadd.s32 v4, v11;
	v4 =	vadd.s32 v0, v14;
	v10 =	vadd.s32 v10, v22  }
0x2d: {  	v14 =	vadd.s32 v8, v4;
	v21 =	vand.u32 $0xFFFFFF80, v11;
	v4 =	vor.u32 v9, v5  }
0x2e: {  	v8 =	vand.u32 $0x7F, v18;
	v5 =	vor.u32 v12, v63;
	vm7 =	vlt.u32 v11, $0x8000  }
0x2f: {  	v11 =	vadd.s32 v0, v20;
	v12 =	vand.u32 $0x7F, v20;
	v9 =	vand.u32 $0xFFFFFF80, v14  }
0x30: {  	[tilespmem:v15+s10+$0x0] =	vst.idx.add.f32.msk vm1, v3;
	v15 =	vadd.s32 v6, v11;
	v6 =	vor.u32 v13, v21;
	v11 =	vand.u32 $0xFFFFFF80, v10  }
0x31: {  	s14 =	simm.s32 $0xC0;
	s13 =	simm.s32 $0x0;
	[tilespmem:v16+s10+$0x0] =	vst.idx.add.f32.msk vm2, v3;
	vm1 =	vlt.u32 v14, $0x8000;
	vm3 =	vlt.u32 v15, $0x8000;
	v13 =	vand.u32 $0xFFFFFF80, v15  }
.LBB2_2:
0x32: {  	v14 =	vld [tilespmem:s14+$0x30];
	v12 =	vor.u32 v12, v13;
	v13 =	vor.u32 v7, v9;
	vm2 =	vlt.u32 v10, $0x8000;
	s12 =	sadd.s32 $0x80, s12  }
0x33: {  	s13 =	sadd.s32 $0x80, s13;
	v15 =	vor.u32 v8, v11;
	vm6 =	vmmov vm5;
	vm4 =	vmmov vm7;
	v7 =	vld [tilespmem:s12+$0x30]  }
0x34: {  	p0 =	slt.u32 s13, $0x7F80;
	v8 =	vld [tilespmem:s12+$0xFFFFFFC0]  }
0x35: {  	v9 =	vld [tilespmem:s14+$0xFFFFFFD0]  }
0x36: {  	v10 =	vld [tilespmem:s12+$0xFFFFFFD0]  }
0x37: {  	v11 =	vld [tilespmem:s14+$0xFFFFFFE0]  }
0x38: {  	v17 =	vadd.s32 v0, v14;
	v16 =	vld [tilespmem:s12+$0xFFFFFFE0];
	v7 =	vshll.u32 v7, $0xA  }
0x39: {  	v18 =	vshll.u32 v8, $0xA;
	v8 =	vld [tilespmem:s14+$0xFFFFFFF0];
	v7 =	vadd.s32 v7, v17  }
0x3a: {  	v14 =	vand.u32 $0x7F, v14;
	v17 =	vld [tilespmem:s12+$0xFFFFFFF0];
	vm5 =	vlt.u32 v7, $0x8000;
	v7 =	vand.u32 $0xFFFFFF80, v7  }
0x3b: {  	v19 =	vadd.s32 v0, v9;
	v10 =	vshll.u32 v10, $0xA;
	v20 =	vld [tilespmem:s14+$0x0];
	v7 =	vor.u32 v14, v7  }
0x3c: {  	v9 =	vand.u32 $0x7F, v9;
	v10 =	vadd.s32 v10, v19;
	v14 =	vadd.s32 v0, v11;
	v19 =	vld [tilespmem:s12+$0x0]  }
0x3d: {  	v11 =	vand.u32 $0x7F, v11;
	v21 =	vand.u32 $0xFFFFFF80, v10;
	v16 =	vshll.u32 v16, $0xA;
	v22 =	vld [tilespmem:s14+$0x10]  }
0x3e: {  	v14 =	vadd.s32 v16, v14;
	v16 =	vadd.s32 v0, v8;
	v23 =	vand.u32 $0x7F, v8;
	v8 =	vld [tilespmem:s12+$0x10]  }
0x3f: {  	vm7 =	vlt.u32 v10, $0x8000;
	v10 =	vand.u32 $0xFFFFFF80, v14;
	v17 =	vshll.u32 v17, $0xA;
	v24 =	vld [tilespmem:s14+$0x20]  }
0x40: {  	v16 =	vadd.s32 v17, v16;
	v17 =	vadd.s32 v0, v20;
	v20 =	vand.u32 $0x7F, v20;
	[tilespmem:v7+s10+$0x0] =	vst.idx.add.f32.msk vm5, v3  }
0x41: {  	v21 =	vor.u32 v9, v21;
	v25 =	vand.u32 $0xFFFFFF80, v16;
	v7 =	vshll.u32 v19, $0xA;
	v19 =	vld [tilespmem:s12+$0x20]  }
0x42: {  	v26 =	vld [tilespmem:s14+$0xFFFFFFC0];
	v17 =	vadd.s32 v7, v17;
	v9 =	vadd.s32 v0, v22;
	v7 =	vand.u32 $0x7F, v22  }
0x43: {  	vm5 =	vlt.u32 v14, $0x8000;
	v14 =	vand.u32 $0xFFFFFF80, v17;
	v8 =	vshll.u32 v8, $0xA;
	[tilespmem:v12+s10+$0x0] =	vst.idx.add.f32.msk vm3, v3  }
0x44: {  	v22 =	vadd.s32 v8, v9;
	v27 =	vadd.s32 v0, v24;
	v8 =	vand.u32 $0x7F, v24;
	[tilespmem:v4+s10+$0x0] =	vst.idx.add.f32.msk vm6, v3  }
.Ltmp0:
0x45: {  	v4 =	vor.u32 v11, v10;
	v9 =	vand.u32 $0xFFFFFF80, v22;
	[tilespmem:v5+s10+$0x0] =	vst.idx.add.f32.msk vm0, v3;
	vm0 =	vlt.u32 v16, $0x8000;
	(pc) =	sbr.rel @p0 .LBB2_2-.Ltmp0, $4  }
0x46: {  	v5 =	vor.u32 v23, v25;
	[tilespmem:v21+s10+$0x0] =	vst.idx.add.f32.msk vm7, v3;
	vm7 =	vlt.u32 v17, $0x8000;
	v10 =	vshll.u32 v19, $0xA  }
0x47: {  	v11 =	vadd.s32 v0, v26;
	v12 =	vand.u32 $0x7F, v26;
	v10 =	vadd.s32 v10, v27;
	[tilespmem:v6+s10+$0x0] =	vst.idx.add.f32.msk vm4, v3  }
0x48: {  	v6 =	vor.u32 v20, v14;
	v16 =	vadd.s32 v18, v11;
	v11 =	vand.u32 $0xFFFFFF80, v10;
	[tilespmem:v13+s10+$0x0] =	vst.idx.add.f32.msk vm1, v3  }
0x49: {  	s14 =	sadd.s32 $0x80, s14;
	vm1 =	vlt.u32 v22, $0x8000;
	vm3 =	vlt.u32 v16, $0x8000;
	v13 =	vand.u32 $0xFFFFFF80, v16;
	[tilespmem:v15+s10+$0x0] =	vst.idx.add.f32.msk vm2, v3  }
0x4a: {  	_ =	sdelay $0x1  }
0x4b: {  	v12 =	vor.u32 v12, v13  }
0x4c: {  	vm2 =	vmmov vm5;
	v7 =	vor.u32 v7, v9  }
0x4d: {  	vm15 =	vlt.u32 v10, $0x8000  }
0x4e: {  	v8 =	vor.u32 v8, v11;
	[tilespmem:v5+s10+$0x0] =	vst.idx.add.f32.msk vm0, v3  }
0x4f: {  	[tilespmem:v6+s10+$0x0] =	vst.idx.add.f32.msk vm7, v3  }
0x50: {  	[tilespmem:v12+s10+$0x0] =	vst.idx.add.f32.msk vm3, v3  }
0x51: {  	[tilespmem:v7+s10+$0x0] =	vst.idx.add.f32.msk vm1, v3  }
0x52: {  	[tilespmem:v4+s10+$0x0] =	vst.idx.add.f32.msk vm2, v3  }
0x53: {  	s11 =	sadd.s32 $0x1, s11;
	[tilespmem:v8+s10+$0x0] =	vst.idx.add.f32.msk vm15, v3  }
0x54: {  	p0 =	sne.s32 s11, s7;
	[tilespmem:v1+s10+$0x0] =	vst.idx.add.f32.msk $0xffff, v3  }
.Ltmp1:
0x55: {  	[tilespmem:v2+s10+$0x0] =	vst.idx.add.f32.msk $0xffff, v3;
	(pc) =	sbr.rel @p0 .LBB2_1-.Ltmp1, $4  }
0x56: {  	[hbm4b:s6+s2] =	stream.linear.scatter [tilespmem:s10], [sflag:$0x1], $0x8000, $0x38;
	[tilespmem:$0x18000] =	vst v63  }
0x57: {  	_ =	swait.ge [sflag:s8], $0x8000  }
0x58: {  	[sflag:s8] =	ssyncset.done $0x0  }
0x59: {  	vm4 =	vmmov vm7;
	[sflag:s8] =	ssyncadd.s32 $0xFFFF8000  }
0x5a: {  	_ =	sfence.sel $0x180000  }
0x5b: {  	[bflag:$0x0] =	sbarrier.arrive $0xFFFF  }
0x5c: {  	p0 =	sne.s32 s1, $0x0;
	_ =	strace $0x90000047  }
0x5d: {  	s0 =	sadd.s32 @!p0 $0x100000, s0;
	[bflag:$0x2] =	sbarrier.arrive $0xFFFF  }
0x5e: {  	[sflag:s0] =	ssyncadd.tile.s32 @!p0 $0x1;
	_ =	shalt  }
.Lfunc_end2:
_tile_overlayer_lowered:
.L_overlay_start_2:
0x5f: {  	(tag) =	ssettag $0x2  }
0x60: {  	s0 =	rddreg [dreg:$0x0];
	s2 =	stileid.u32  }
0x61: {  	s1 =	rddreg [dreg:$0x1];
	p0 =	sne.s32 s2, $0x0  }
0x62: {  	s3 =	rddreg [dreg:$0x2];
	[bflag:$0x3] =	sbarrier.arrive $0xFFFF;
	s2 =	simm.s32 @!p0 $0x1C01  }
0x63: {  	[timem:s3], [sflag:s2] =	dma.local @!p0 [hbm:s0], s1  }
0x64: {  	s0 =	simm.s32 @!p0 $0x1  }
0x65: {  	_ =	swait.ge @!p0 [sflag:s0], s1  }
0x66: {  	s1 =	ssub.s32 @!p0 $0x0, s1;
	[sflag:s0] =	ssyncset.done @!p0 $0x0  }
0x67: {  	[sflag:s0] =	ssyncadd.s32 @!p0 s1  }
0x68: {  	[bflag:$0x3] =	sbarrier.arrive $0xFFFF  }
0x69: {  	_ =	shalt  }

</sc_bundles>
